<compile_context>
chip_gen: v7x
topology: tpu7x:2x2x1
jax: 0.10.2.dev20260603
libtpu: 0.0.44.dev20260713+nightly
codegen_flags: <defaults>
</compile_context>

<pallas_src>
import functools
import math

import jax
import jax.numpy as jnp
from jax import lax
from jax.experimental import pallas as pl
from jax.experimental.pallas import tpu as pltpu
from jax.experimental.pallas import tpu_sc as plsc

NB = 500
NBP = 512
NSAMP = 131072
NTILES = 16
CHUNK = NSAMP // NTILES
VECS = CHUNK // 16
TAPS = 3
HALF_LOG_2PI = 0.5 * math.log(2.0 * math.pi)



def _sc_hist_body(x2_hbm, counts_out, mm_out,
                  chunk_v, hist_v, counts_v, vec16_v, mmall_v, red_v,
                  out32_v, sh_mm, sh_counts):
    c = lax.axis_index("c")
    s = lax.axis_index("s")
    lane = lax.iota(jnp.int32, 16)

    pltpu.sync_copy(x2_hbm.at[pl.ds(c * NSAMP + s * CHUNK, CHUNK)], chunk_v)

    def mm_step(i, carry):
        mn, mx = carry
        for k in range(4):
            v = chunk_v[pl.ds(i * 64 + k * 16, 16)]
            mn = jnp.minimum(mn, v)
            mx = jnp.maximum(mx, v)
        return mn, mx

    v0 = chunk_v[pl.ds(0, 16)]
    mn_v, mx_v = lax.fori_loop(0, VECS // 4, mm_step, (v0, v0))
    vec16_v[...] = mn_v
    pltpu.sync_copy(vec16_v, sh_mm.at[pl.ds(s * 32, 16)])
    vec16_v[...] = mx_v
    pltpu.sync_copy(vec16_v, sh_mm.at[pl.ds(s * 32 + 16, 16)])
    plsc.subcore_barrier()
    pltpu.sync_copy(sh_mm, mmall_v)
    mn16 = mmall_v[pl.ds(0, 16)]
    mx16 = mmall_v[pl.ds(16, 16)]
    for r in range(1, NTILES):
        mn16 = jnp.minimum(mn16, mmall_v[pl.ds(r * 32, 16)])
        mx16 = jnp.maximum(mx16, mmall_v[pl.ds(r * 32 + 16, 16)])

    def lanefold(v, op):
        for shift in (8, 4, 2, 1):
            vec16_v[...] = v
            idx = (lane + shift) & 15
            v = op(v, plsc.load_gather(vec16_v, [idx]))
        return v

    gmn_v = lanefold(mn16, jnp.minimum)
    gmx_v = lanefold(mx16, jnp.maximum)
    dr_v = gmx_v - gmn_v
    bw_v = dr_v / jnp.float32(500.0)
    inv_bw_v = jnp.float32(500.0) / dr_v
    std_v = bw_v * jnp.float32(0.5)
    d2_v = (std_v * std_v) * jnp.float32(2.0)
    r_hi = jnp.float32(1.0) / d2_v
    p = r_hi * d2_v
    ah = r_hi * jnp.float32(4097.0)
    ah = ah - (ah - r_hi)
    al = r_hi - ah
    bh = d2_v * jnp.float32(4097.0)
    bh = bh - (bh - d2_v)
    bl = d2_v - bh
    perr = ((ah * bh - p) + ah * bl + al * bh) + al * bl
    r_lo = ((jnp.float32(1.0) - p) - perr) * r_hi
    nr_hi = -r_hi
    nr_lo = -r_lo


    zero16 = jnp.zeros((16,), jnp.float32)

    def zero_step(i, carry):
        hist_v[pl.ds(i * 16, 16)] = zero16
        return carry

    lax.fori_loop(0, (16 * NBP) // 16, zero_step, 0)

    lane_base = lane * NBP

    def hist_step(i, carry):
        for k in range(2):
            x = chunk_v[pl.ds(i * 32 + k * 16, 16)]
            u = (x - gmn_v) * inv_bw_v
            base = u.astype(jnp.int32)
            for d in range(-TAPS, TAPS + 1):
                ji = base + d
                jc0 = jnp.clip(ji, 0, NBP - 1)
                cj = gmn_v + bw_v * (ji.astype(jnp.float32) + jnp.float32(0.5))
                diff = x - cj
                sq = diff * diff
                q = sq * nr_hi + sq * nr_lo
                val = jnp.exp(q)
                m = (ji >= 0) & (ji < NB)
                plsc.addupdate_scatter(hist_v, [jc0 + lane_base], val, mask=m)
        return carry

    lax.fori_loop(0, VECS // 2, hist_step, 0)

    def lred_step(h, carry):
        a = hist_v[pl.ds(h * 16, 16)]
        for r in range(1, 16):
            a = a + hist_v[pl.ds(r * NBP + h * 16, 16)]
        counts_v[pl.ds(h * 16, 16)] = a
        return carry

    lax.fori_loop(0, NBP // 16, lred_step, 0)

    pltpu.sync_copy(counts_v, sh_counts.at[pl.ds(s * NBP, NBP)])
    plsc.subcore_barrier()
    for r in range(NTILES):
        pltpu.sync_copy(sh_counts.at[pl.ds(r * NBP + s * 32, 32)],
                        red_v.at[pl.ds(r * 32, 32)])
    for h in range(2):
        a = red_v[pl.ds(h * 16, 16)]
        for r in range(1, NTILES):
            a = a + red_v[pl.ds(r * 32 + h * 16, 16)]
        out32_v[pl.ds(h * 16, 16)] = a
    pltpu.sync_copy(out32_v, counts_out.at[pl.ds(c * NBP + s * 32, 32)])

    @pl.when(s == 0)
    def _():
        vec16_v[...] = jnp.where(lane == 0, gmn_v,
                                 jnp.where(lane == 1, gmx_v, jnp.float32(0.0)))
        pltpu.sync_copy(vec16_v, mm_out.at[pl.ds(c * 16, 16)])


_sc_hist = pl.kernel(
    _sc_hist_body,
    out_type=[
        jax.ShapeDtypeStruct((2 * NBP,), jnp.float32),
        jax.ShapeDtypeStruct((32,), jnp.float32),
    ],
    mesh=plsc.VectorSubcoreMesh(core_axis_name="c", subcore_axis_name="s"),
    compiler_params=pltpu.CompilerParams(needs_layout_passes=False),
    scratch_types=[
        pltpu.VMEM((CHUNK,), jnp.float32),
        pltpu.VMEM((16 * NBP,), jnp.float32),
        pltpu.VMEM((NBP,), jnp.float32),
        pltpu.VMEM((16,), jnp.float32),
        pltpu.VMEM((NTILES * 32,), jnp.float32),
        pltpu.VMEM((NTILES * 32,), jnp.float32),
        pltpu.VMEM((32,), jnp.float32),
        pltpu.VMEM_SHARED((NTILES * 32,), jnp.float32),
        pltpu.VMEM_SHARED((NTILES * NBP,), jnp.float32),
    ],
)


def _split(a):
    c = a * jnp.float32(4097.0)
    t = c - a
    hi = c - t
    return hi, a - hi


def _weights_bins(counts_raw, lo, hi):
    bw = (hi - lo) / jnp.float32(500.0)
    std = jnp.float32(1.0) * bw / 2.0
    denom = jnp.float32(math.sqrt(2.0 * math.pi)) * std
    q_hi = bw / denom
    p = q_hi * denom
    dh, dl = _split(q_hi)
    eh, el = _split(denom)
    perr = ((dh * eh - p) + dh * el + dl * eh) + dl * el
    q_lo = ((bw - p) - perr) / denom
    w = (counts_raw * q_hi + counts_raw * q_lo) / jnp.float32(NSAMP)
    centres = lo + bw * (jnp.arange(NB, dtype=jnp.float32) + 0.5)
    return w, centres


def _log_likelihood_ref(bins, cov):
    val = bins[:, None]
    loc = bins[None, :]
    lp = -0.5 * jnp.square((val - loc) / cov) - jnp.log(cov) - jnp.float32(HALF_LOG_2PI)
    return lp.sum(axis=0)


def kernel(XA_1d, XB_1d, likelihood_cov):
    x2 = jnp.concatenate([jnp.squeeze(XA_1d, axis=1), jnp.squeeze(XB_1d, axis=1)])
    counts, mm = _sc_hist(x2)
    weights_A, bins_A = _weights_bins(counts[:NB], mm[0], mm[1])
    weights_B, bins_B = _weights_bins(counts[NBP:NBP + NB], mm[16], mm[17])
    cov = likelihood_cov
    weights_AB = jnp.concatenate([weights_A, weights_B]) / (weights_A.sum() + weights_B.sum())
    bins_AB = jnp.concatenate([bins_A, bins_B])
    avg_log_llhd_A = (_log_likelihood_ref(bins_A, cov) * weights_A).sum()
    avg_log_llhd_B = (_log_likelihood_ref(bins_B, cov) * weights_B).sum()
    avg_log_llhd_AB = (_log_likelihood_ref(bins_AB, cov) * weights_AB).sum()
    return avg_log_llhd_AB - avg_log_llhd_A - avg_log_llhd_B

# --- scband reference (transcript-rebuilt; emitter-appended) ---
"""Pipeline reference for scband-log-suspiciousness-38878043963854 (READ-ONLY COPY).

The authoritative reference and input builder live on the scoring server;
editing this copy changes nothing except your own understanding.
"""

import jax, jax.numpy as jnp
import numpy as np

N_BINS = 500
HIST_PARAM = 1.0
N = 131072


def setup_inputs(seed: int = 0) -> dict:
    key = jax.random.key(seed)
    kA, kB = jax.random.split(key)
    XA = jax.random.normal(kA, (N, 1), dtype=jnp.float32)
    XB = jax.random.normal(kB, (N, 1), dtype=jnp.float32)
    likelihood_cov = jnp.asarray(0.1, dtype=jnp.float32)
    return {"XA_1d": XA, "XB_1d": XB, "likelihood_cov": likelihood_cov}


def _binned_weights(X):
    # get_limits(X): data-dependent bounds (min, max)
    x = jnp.squeeze(X, axis=1)
    lo = jnp.min(x)
    hi = jnp.max(x)
    bin_width = (hi - lo) / N_BINS
    centres = lo + bin_width * (jnp.arange(N_BINS, dtype=jnp.float32) + 0.5)
    # [n_bins, N] difference matrix
    diff = x[None, :] - centres[:, None]
    # gaussian envelope
    std = HIST_PARAM * bin_width / 2.0
    env = jnp.exp(-jnp.square(diff) / (2.0 * jnp.square(std))) / (np.sqrt(2.0 * np.pi) * std) * bin_width
    counts = env.sum(axis=1)
    weights = counts / x.shape[0]
    return weights, centres


def _log_likelihood(bins, cov):
    # Normal(loc=bins, scale=cov).log_prob(bins[:, None]).sum(0)
    val = bins[:, None]
    loc = bins[None, :]
    lp = -0.5 * jnp.square((val - loc) / cov) - jnp.log(cov) - 0.5 * np.log(2.0 * np.pi)
    return lp.sum(axis=0)


def reference(XA_1d, XB_1d, likelihood_cov):
    weights_A, bins_A = _binned_weights(XA_1d)
    weights_B, bins_B = _binned_weights(XB_1d)
    weights_AB = jnp.concatenate([weights_A, weights_B]) / (weights_A.sum() + weights_B.sum())
    bins_AB = jnp.concatenate([bins_A, bins_B])
    avg_log_llhd_A = (_log_likelihood(bins_A, likelihood_cov) * weights_A).sum()
    avg_log_llhd_B = (_log_likelihood(bins_B, likelihood_cov) * weights_B).sum()
    avg_log_llhd_AB = (_log_likelihood(bins_AB, likelihood_cov) * weights_AB).sum()
    log_S = avg_log_llhd_AB - avg_log_llhd_A - avg_log_llhd_B
    return log_S

if __name__ == "__main__":
    import jax
    _d = setup_inputs()
    print(jax.jit(kernel)(*tuple(_d.values())))

</pallas_src>

<mosaic_0001>
#map = affine_map<(d0, d1) -> (0)>
module attributes {stable_mosaic.version = 14 : i64} {
  func.func @_sc_hist_body(%arg0: i32, %arg1: i32, %arg2: memref<262144xf32, #tpu.memory_space<hbm>>, %arg3: memref<1024xf32, #tpu.memory_space<hbm>>, %arg4: memref<32xf32, #tpu.memory_space<hbm>>, %arg5: memref<8192xf32, #tpu.memory_space<vmem>>, %arg6: memref<8192xf32, #tpu.memory_space<vmem>>, %arg7: memref<512xf32, #tpu.memory_space<vmem>>, %arg8: memref<16xf32, #tpu.memory_space<vmem>>, %arg9: memref<512xf32, #tpu.memory_space<vmem>>, %arg10: memref<512xf32, #tpu.memory_space<vmem>>, %arg11: memref<32xf32, #tpu.memory_space<vmem>>, %arg12: memref<512xf32, #tpu.memory_space<vmem_shared>>, %arg13: memref<8192xf32, #tpu.memory_space<vmem_shared>>) attributes {dimension_semantics = [#tpu.dimension_semantics<core_parallel>, #tpu.dimension_semantics<subcore_parallel>], iteration_bounds = array<i64: 2, 16>, scalar_prefetch = 0 : i64, scratch_operands = 9 : i64, tpu.core_type = #tpu.core_type<sc_vector_subcore>, window_params = [{transform_indices = #map}, {transform_indices = #map}, {transform_indices = #map}]} {
    %iota3A = tpu.iota {dimensions = array<i32: 0>} : vector<16xi32>
    %mul3A = arith.constant 131072 : i32
    %mul3A_0 = arith.muli %arg0, %mul3A : i32
    %mul3A_1 = arith.constant 8192 : i32
    %mul3A_2 = arith.muli %arg1, %mul3A_1 : i32
    %add3A = arith.addi %mul3A_0, %mul3A_2 : i32
    "tpu.region"() ({
      %run_scoped3A = tpu.sem_alloc : memref<!tpu.dma_semaphore, #tpu.memory_space<semaphore_mem>>
      %dma_start3A = tpu.memref_slice %arg2[%add3A] : memref<262144xf32, #tpu.memory_space<hbm>> -> memref<8192xf32, #tpu.memory_space<hbm>>
      %dma_start3A_428 = tpu.memref_slice %arg2[%add3A] : memref<262144xf32, #tpu.memory_space<hbm>> -> memref<8192xf32, #tpu.memory_space<hbm>>
      tpu.enqueue_dma source(%dma_start3A_428 : memref<8192xf32, #tpu.memory_space<hbm>>) target(%arg5 : memref<8192xf32, #tpu.memory_space<vmem>>) target_semaphore(%run_scoped3A : memref<!tpu.dma_semaphore, #tpu.memory_space<semaphore_mem>>)
      %dma_wait3A = tpu.memref_slice %arg2[%add3A] : memref<262144xf32, #tpu.memory_space<hbm>> -> memref<8192xf32, #tpu.memory_space<hbm>>
      %dma_wait3A_429 = tpu.memref_slice %arg2[%add3A] : memref<262144xf32, #tpu.memory_space<hbm>> -> memref<8192xf32, #tpu.memory_space<hbm>>
      tpu.wait_dma2 semaphore(%run_scoped3A : memref<!tpu.dma_semaphore, #tpu.memory_space<semaphore_mem>>) src(%dma_wait3A_429 : memref<8192xf32, #tpu.memory_space<hbm>>) dst(%arg5 : memref<8192xf32, #tpu.memory_space<vmem>>)
      tpu.yield
    }) : () -> ()
    %get3A = arith.constant 0 : index
    %get3A_3 = tpu.vector_load %arg5[%get3A] {strides = array<i32>} : memref<8192xf32, #tpu.memory_space<vmem>>, vector<16xf32>,
    %scan3A = arith.constant 0 : i32
    %scan3A_4 = arith.constant 128 : i32
    %scan3A_5 = arith.addi %scan3A, %scan3A_4 : i32
    %scan3A_6 = arith.constant 1 : i32
    %scan3A_7:2 = scf.for %scan3A_428 = %scan3A to %scan3A_5 step %scan3A_6 iter_args(%scan3A_429 = %get3A_3, %scan3A_430 = %get3A_3) -> (vector<16xf32>, vector<16xf32>)  : i32 {
      %mul3A_431 = arith.constant 64 : i32
      %mul3A_432 = arith.muli %scan3A_428, %mul3A_431 : i32
      %add3A_433 = arith.constant 0 : i32
      %add3A_434 = arith.addi %mul3A_432, %add3A_433 : i32
      %get3A_435 = arith.index_cast %add3A_434 : i32 to index
      %get3A_436 = tpu.vector_load %arg5[%get3A_435] {strides = array<i32>} : memref<8192xf32, #tpu.memory_space<vmem>>, vector<16xf32>,
      %min3A_437 = arith.minimumf %scan3A_429, %get3A_436 : vector<16xf32>
      %max3A_438 = arith.maximumf %scan3A_430, %get3A_436 : vector<16xf32>
      %mul3A_439 = arith.constant 64 : i32
      %mul3A_440 = arith.muli %scan3A_428, %mul3A_439 : i32
      %add3A_441 = arith.constant 16 : i32
      %add3A_442 = arith.addi %mul3A_440, %add3A_441 : i32
      %get3A_443 = arith.index_cast %add3A_442 : i32 to index
      %get3A_444 = tpu.vector_load %arg5[%get3A_443] {strides = array<i32>} : memref<8192xf32, #tpu.memory_space<vmem>>, vector<16xf32>,
      %min3A_445 = arith.minimumf %min3A_437, %get3A_444 : vector<16xf32>
      %max3A_446 = arith.maximumf %max3A_438, %get3A_444 : vector<16xf32>
      %mul3A_447 = arith.constant 64 : i32
      %mul3A_448 = arith.muli %scan3A_428, %mul3A_447 : i32
      %add3A_449 = arith.constant 32 : i32
      %add3A_450 = arith.addi %mul3A_448, %add3A_449 : i32
      %get3A_451 = arith.index_cast %add3A_450 : i32 to index
      %get3A_452 = tpu.vector_load %arg5[%get3A_451] {strides = array<i32>} : memref<8192xf32, #tpu.memory_space<vmem>>, vector<16xf32>,
      %min3A_453 = arith.minimumf %min3A_445, %get3A_452 : vector<16xf32>
      %max3A_454 = arith.maximumf %max3A_446, %get3A_452 : vector<16xf32>
      %mul3A_455 = arith.constant 64 : i32
      %mul3A_456 = arith.muli %scan3A_428, %mul3A_455 : i32
      %add3A_457 = arith.constant 48 : i32
      %add3A_458 = arith.addi %mul3A_456, %add3A_457 : i32
      %get3A_459 = arith.index_cast %add3A_458 : i32 to index
      %get3A_460 = tpu.vector_load %arg5[%get3A_459] {strides = array<i32>} : memref<8192xf32, #tpu.memory_space<vmem>>, vector<16xf32>,
      %min3A_461 = arith.minimumf %min3A_453, %get3A_460 : vector<16xf32>
      %max3A_462 = arith.maximumf %max3A_454, %get3A_460 : vector<16xf32>
      scf.yield %min3A_461, %max3A_462 : vector<16xf32>, vector<16xf32>
    }
    %scan3A_8 = arith.constant 128 : i32
    %swap3A = arith.constant 0 : index
    %swap3A_9 = tpu.vector_load %arg8[%swap3A] {strides = array<i32>} : memref<16xf32, #tpu.memory_space<vmem>>, vector<16xf32>,
    tpu.vector_store %arg8[%swap3A], %scan3A_7#0 {strides = array<i32>} : memref<16xf32, #tpu.memory_space<vmem>>, vector<16xf32>,
    %mul3A_10 = arith.constant 32 : i32
    %mul3A_11 = arith.muli %arg1, %mul3A_10 : i32
    "tpu.region"() ({
      %run_scoped3A = tpu.sem_alloc : memref<!tpu.dma_semaphore, #tpu.memory_space<semaphore_mem>>
      %dma_start3A = tpu.memref_slice %arg12[%mul3A_11] : memref<512xf32, #tpu.memory_space<vmem_shared>> -> memref<16xf32, #tpu.memory_space<vmem_shared>>
      %dma_start3A_428 = tpu.memref_slice %arg12[%mul3A_11] : memref<512xf32, #tpu.memory_space<vmem_shared>> -> memref<16xf32, #tpu.memory_space<vmem_shared>>
      tpu.enqueue_dma source(%arg8 : memref<16xf32, #tpu.memory_space<vmem>>) target(%dma_start3A_428 : memref<16xf32, #tpu.memory_space<vmem_shared>>) target_semaphore(%run_scoped3A : memref<!tpu.dma_semaphore, #tpu.memory_space<semaphore_mem>>)
      %dma_wait3A = tpu.memref_slice %arg12[%mul3A_11] : memref<512xf32, #tpu.memory_space<vmem_shared>> -> memref<16xf32, #tpu.memory_space<vmem_shared>>
      %dma_wait3A_429 = tpu.memref_slice %arg12[%mul3A_11] : memref<512xf32, #tpu.memory_space<vmem_shared>> -> memref<16xf32, #tpu.memory_space<vmem_shared>>
      tpu.wait_dma2 semaphore(%run_scoped3A : memref<!tpu.dma_semaphore, #tpu.memory_space<semaphore_mem>>) src(%arg8 : memref<16xf32, #tpu.memory_space<vmem>>) dst(%dma_wait3A_429 : memref<16xf32, #tpu.memory_space<vmem_shared>>)
      tpu.yield
    }) : () -> ()
    %swap3A_12 = arith.constant 0 : index
    %swap3A_13 = tpu.vector_load %arg8[%swap3A_12] {strides = array<i32>} : memref<16xf32, #tpu.memory_space<vmem>>, vector<16xf32>,
    tpu.vector_store %arg8[%swap3A_12], %scan3A_7#1 {strides = array<i32>} : memref<16xf32, #tpu.memory_space<vmem>>, vector<16xf32>,
    %mul3A_14 = arith.constant 32 : i32
    %mul3A_15 = arith.muli %arg1, %mul3A_14 : i32
    %add3A_16 = arith.constant 16 : i32
    %add3A_17 = arith.addi %mul3A_15, %add3A_16 : i32
    "tpu.region"() ({
      %run_scoped3A = tpu.sem_alloc : memref<!tpu.dma_semaphore, #tpu.memory_space<semaphore_mem>>
      %dma_start3A = tpu.memref_slice %arg12[%add3A_17] : memref<512xf32, #tpu.memory_space<vmem_shared>> -> memref<16xf32, #tpu.memory_space<vmem_shared>>
      %dma_start3A_428 = tpu.memref_slice %arg12[%add3A_17] : memref<512xf32, #tpu.memory_space<vmem_shared>> -> memref<16xf32, #tpu.memory_space<vmem_shared>>
      tpu.enqueue_dma source(%arg8 : memref<16xf32, #tpu.memory_space<vmem>>) target(%dma_start3A_428 : memref<16xf32, #tpu.memory_space<vmem_shared>>) target_semaphore(%run_scoped3A : memref<!tpu.dma_semaphore, #tpu.memory_space<semaphore_mem>>)
      %dma_wait3A = tpu.memref_slice %arg12[%add3A_17] : memref<512xf32, #tpu.memory_space<vmem_shared>> -> memref<16xf32, #tpu.memory_space<vmem_shared>>
      %dma_wait3A_429 = tpu.memref_slice %arg12[%add3A_17] : memref<512xf32, #tpu.memory_space<vmem_shared>> -> memref<16xf32, #tpu.memory_space<vmem_shared>>
      tpu.wait_dma2 semaphore(%run_scoped3A : memref<!tpu.dma_semaphore, #tpu.memory_space<semaphore_mem>>) src(%arg8 : memref<16xf32, #tpu.memory_space<vmem>>) dst(%dma_wait3A_429 : memref<16xf32, #tpu.memory_space<vmem_shared>>)
      tpu.yield
    }) : () -> ()
    %barrier3A = arith.constant 0 : index
    tpu.barrier barrier_id(%barrier3A)
    "tpu.region"() ({
      %run_scoped3A = tpu.sem_alloc : memref<!tpu.dma_semaphore, #tpu.memory_space<semaphore_mem>>
      tpu.enqueue_dma source(%arg12 : memref<512xf32, #tpu.memory_space<vmem_shared>>) target(%arg9 : memref<512xf32, #tpu.memory_space<vmem>>) target_semaphore(%run_scoped3A : memref<!tpu.dma_semaphore, #tpu.memory_space<semaphore_mem>>)
      tpu.wait_dma2 semaphore(%run_scoped3A : memref<!tpu.dma_semaphore, #tpu.memory_space<semaphore_mem>>) src(%arg12 : memref<512xf32, #tpu.memory_space<vmem_shared>>) dst(%arg9 : memref<512xf32, #tpu.memory_space<vmem>>)
      tpu.yield
    }) : () -> ()
    %get3A_18 = arith.constant 0 : index
    %get3A_19 = tpu.vector_load %arg9[%get3A_18] {strides = array<i32>} : memref<512xf32, #tpu.memory_space<vmem>>, vector<16xf32>,
    %get3A_20 = arith.constant 16 : index
    %get3A_21 = tpu.vector_load %arg9[%get3A_20] {strides = array<i32>} : memref<512xf32, #tpu.memory_space<vmem>>, vector<16xf32>,
    %get3A_22 = arith.constant 32 : index
    %get3A_23 = tpu.vector_load %arg9[%get3A_22] {strides = array<i32>} : memref<512xf32, #tpu.memory_space<vmem>>, vector<16xf32>,
    %min3A = arith.minimumf %get3A_19, %get3A_23 : vector<16xf32>
    %get3A_24 = arith.constant 48 : index
    %get3A_25 = tpu.vector_load %arg9[%get3A_24] {strides = array<i32>} : memref<512xf32, #tpu.memory_space<vmem>>, vector<16xf32>,
    %max3A = arith.maximumf %get3A_21, %get3A_25 : vector<16xf32>
    %get3A_26 = arith.constant 64 : index
    %get3A_27 = tpu.vector_load %arg9[%get3A_26] {strides = array<i32>} : memref<512xf32, #tpu.memory_space<vmem>>, vector<16xf32>,
    %min3A_28 = arith.minimumf %min3A, %get3A_27 : vector<16xf32>
    %get3A_29 = arith.constant 80 : index
    %get3A_30 = tpu.vector_load %arg9[%get3A_29] {strides = array<i32>} : memref<512xf32, #tpu.memory_space<vmem>>, vector<16xf32>,
    %max3A_31 = arith.maximumf %max3A, %get3A_30 : vector<16xf32>
    %get3A_32 = arith.constant 96 : index
    %get3A_33 = tpu.vector_load %arg9[%get3A_32] {strides = array<i32>} : memref<512xf32, #tpu.memory_space<vmem>>, vector<16xf32>,
    %min3A_34 = arith.minimumf %min3A_28, %get3A_33 : vector<16xf32>
    %get3A_35 = arith.constant 112 : index
    %get3A_36 = tpu.vector_load %arg9[%get3A_35] {strides = array<i32>} : memref<512xf32, #tpu.memory_space<vmem>>, vector<16xf32>,
    %max3A_37 = arith.maximumf %max3A_31, %get3A_36 : vector<16xf32>
    %get3A_38 = arith.constant 128 : index
    %get3A_39 = tpu.vector_load %arg9[%get3A_38] {strides = array<i32>} : memref<512xf32, #tpu.memory_space<vmem>>, vector<16xf32>,
    %min3A_40 = arith.minimumf %min3A_34, %get3A_39 : vector<16xf32>
    %get3A_41 = arith.constant 144 : index
    %get3A_42 = tpu.vector_load %arg9[%get3A_41] {strides = array<i32>} : memref<512xf32, #tpu.memory_space<vmem>>, vector<16xf32>,
    %max3A_43 = arith.maximumf %max3A_37, %get3A_42 : vector<16xf32>
    %get3A_44 = arith.constant 160 : index
    %get3A_45 = tpu.vector_load %arg9[%get3A_44] {strides = array<i32>} : memref<512xf32, #tpu.memory_space<vmem>>, vector<16xf32>,
    %min3A_46 = arith.minimumf %min3A_40, %get3A_45 : vector<16xf32>
    %get3A_47 = arith.constant 176 : index
    %get3A_48 = tpu.vector_load %arg9[%get3A_47] {strides = array<i32>} : memref<512xf32, #tpu.memory_space<vmem>>, vector<16xf32>,
    %max3A_49 = arith.maximumf %max3A_43, %get3A_48 : vector<16xf32>
    %get3A_50 = arith.constant 192 : index
    %get3A_51 = tpu.vector_load %arg9[%get3A_50] {strides = array<i32>} : memref<512xf32, #tpu.memory_space<vmem>>, vector<16xf32>,
    %min3A_52 = arith.minimumf %min3A_46, %get3A_51 : vector<16xf32>
    %get3A_53 = arith.constant 208 : index
    %get3A_54 = tpu.vector_load %arg9[%get3A_53] {strides = array<i32>} : memref<512xf32, #tpu.memory_space<vmem>>, vector<16xf32>,
    %max3A_55 = arith.maximumf %max3A_49, %get3A_54 : vector<16xf32>
    %get3A_56 = arith.constant 224 : index
    %get3A_57 = tpu.vector_load %arg9[%get3A_56] {strides = array<i32>} : memref<512xf32, #tpu.memory_space<vmem>>, vector<16xf32>,
    %min3A_58 = arith.minimumf %min3A_52, %get3A_57 : vector<16xf32>
    %get3A_59 = arith.constant 240 : index
    %get3A_60 = tpu.vector_load %arg9[%get3A_59] {strides = array<i32>} : memref<512xf32, #tpu.memory_space<vmem>>, vector<16xf32>,
    %max3A_61 = arith.maximumf %max3A_55, %get3A_60 : vector<16xf32>
    %get3A_62 = arith.constant 256 : index
    %get3A_63 = tpu.vector_load %arg9[%get3A_62] {strides = array<i32>} : memref<512xf32, #tpu.memory_space<vmem>>, vector<16xf32>,
    %min3A_64 = arith.minimumf %min3A_58, %get3A_63 : vector<16xf32>
    %get3A_65 = arith.constant 272 : index
    %get3A_66 = tpu.vector_load %arg9[%get3A_65] {strides = array<i32>} : memref<512xf32, #tpu.memory_space<vmem>>, vector<16xf32>,
    %max3A_67 = arith.maximumf %max3A_61, %get3A_66 : vector<16xf32>
    %get3A_68 = arith.constant 288 : index
    %get3A_69 = tpu.vector_load %arg9[%get3A_68] {strides = array<i32>} : memref<512xf32, #tpu.memory_space<vmem>>, vector<16xf32>,
    %min3A_70 = arith.minimumf %min3A_64, %get3A_69 : vector<16xf32>
    %get3A_71 = arith.constant 304 : index
    %get3A_72 = tpu.vector_load %arg9[%get3A_71] {strides = array<i32>} : memref<512xf32, #tpu.memory_space<vmem>>, vector<16xf32>,
    %max3A_73 = arith.maximumf %max3A_67, %get3A_72 : vector<16xf32>
    %get3A_74 = arith.constant 320 : index
    %get3A_75 = tpu.vector_load %arg9[%get3A_74] {strides = array<i32>} : memref<512xf32, #tpu.memory_space<vmem>>, vector<16xf32>,
    %min3A_76 = arith.minimumf %min3A_70, %get3A_75 : vector<16xf32>
    %get3A_77 = arith.constant 336 : index
    %get3A_78 = tpu.vector_load %arg9[%get3A_77] {strides = array<i32>} : memref<512xf32, #tpu.memory_space<vmem>>, vector<16xf32>,
    %max3A_79 = arith.maximumf %max3A_73, %get3A_78 : vector<16xf32>
    %get3A_80 = arith.constant 352 : index
    %get3A_81 = tpu.vector_load %arg9[%get3A_80] {strides = array<i32>} : memref<512xf32, #tpu.memory_space<vmem>>, vector<16xf32>,
    %min3A_82 = arith.minimumf %min3A_76, %get3A_81 : vector<16xf32>
    %get3A_83 = arith.constant 368 : index
    %get3A_84 = tpu.vector_load %arg9[%get3A_83] {strides = array<i32>} : memref<512xf32, #tpu.memory_space<vmem>>, vector<16xf32>,
    %max3A_85 = arith.maximumf %max3A_79, %get3A_84 : vector<16xf32>
    %get3A_86 = arith.constant 384 : index
    %get3A_87 = tpu.vector_load %arg9[%get3A_86] {strides = array<i32>} : memref<512xf32, #tpu.memory_space<vmem>>, vector<16xf32>,
    %min3A_88 = arith.minimumf %min3A_82, %get3A_87 : vector<16xf32>
    %get3A_89 = arith.constant 400 : index
    %get3A_90 = tpu.vector_load %arg9[%get3A_89] {strides = array<i32>} : memref<512xf32, #tpu.memory_space<vmem>>, vector<16xf32>,
    %max3A_91 = arith.maximumf %max3A_85, %get3A_90 : vector<16xf32>
    %get3A_92 = arith.constant 416 : index
    %get3A_93 = tpu.vector_load %arg9[%get3A_92] {strides = array<i32>} : memref<512xf32, #tpu.memory_space<vmem>>, vector<16xf32>,
    %min3A_94 = arith.minimumf %min3A_88, %get3A_93 : vector<16xf32>
    %get3A_95 = arith.constant 432 : index
    %get3A_96 = tpu.vector_load %arg9[%get3A_95] {strides = array<i32>} : memref<512xf32, #tpu.memory_space<vmem>>, vector<16xf32>,
    %max3A_97 = arith.maximumf %max3A_91, %get3A_96 : vector<16xf32>
    %get3A_98 = arith.constant 448 : index
    %get3A_99 = tpu.vector_load %arg9[%get3A_98] {strides = array<i32>} : memref<512xf32, #tpu.memory_space<vmem>>, vector<16xf32>,
    %min3A_100 = arith.minimumf %min3A_94, %get3A_99 : vector<16xf32>
    %get3A_101 = arith.constant 464 : index
    %get3A_102 = tpu.vector_load %arg9[%get3A_101] {strides = array<i32>} : memref<512xf32, #tpu.memory_space<vmem>>, vector<16xf32>,
    %max3A_103 = arith.maximumf %max3A_97, %get3A_102 : vector<16xf32>
    %get3A_104 = arith.constant 480 : index
    %get3A_105 = tpu.vector_load %arg9[%get3A_104] {strides = array<i32>} : memref<512xf32, #tpu.memory_space<vmem>>, vector<16xf32>,
    %min3A_106 = arith.minimumf %min3A_100, %get3A_105 : vector<16xf32>
    %get3A_107 = arith.constant 496 : index
    %get3A_108 = tpu.vector_load %arg9[%get3A_107] {strides = array<i32>} : memref<512xf32, #tpu.memory_space<vmem>>, vector<16xf32>,
    %max3A_109 = arith.maximumf %max3A_103, %get3A_108 : vector<16xf32>
    %swap3A_110 = arith.constant 0 : index
    %swap3A_111 = tpu.vector_load %arg8[%swap3A_110] {strides = array<i32>} : memref<16xf32, #tpu.memory_space<vmem>>, vector<16xf32>,
    tpu.vector_store %arg8[%swap3A_110], %min3A_106 {strides = array<i32>} : memref<16xf32, #tpu.memory_space<vmem>>, vector<16xf32>,
    %add3A_112 = arith.constant 8 : i32
    %add3A_113 = vector.broadcast %add3A_112 : i32 to vector<16xi32>
    %add3A_114 = arith.addi %iota3A, %add3A_113 : vector<16xi32>
    %and3A = arith.constant 15 : i32
    %and3A_115 = vector.broadcast %and3A : i32 to vector<16xi32>
    %and3A_116 = arith.andi %add3A_114, %and3A_115 : vector<16xi32>
    %gather3A = tpu.vector_load_idx %arg8[%and3A_116] : memref<16xf32, #tpu.memory_space<vmem>>[vector<16xi32>], vector<16xf32>,
    %min3A_117 = arith.minimumf %min3A_106, %gather3A : vector<16xf32>
    %swap3A_118 = arith.constant 0 : index
    %swap3A_119 = tpu.vector_load %arg8[%swap3A_118] {strides = array<i32>} : memref<16xf32, #tpu.memory_space<vmem>>, vector<16xf32>,
    tpu.vector_store %arg8[%swap3A_118], %min3A_117 {strides = array<i32>} : memref<16xf32, #tpu.memory_space<vmem>>, vector<16xf32>,
    %add3A_120 = arith.constant 4 : i32
    %add3A_121 = vector.broadcast %add3A_120 : i32 to vector<16xi32>
    %add3A_122 = arith.addi %iota3A, %add3A_121 : vector<16xi32>
    %and3A_123 = arith.constant 15 : i32
    %and3A_124 = vector.broadcast %and3A_123 : i32 to vector<16xi32>
    %and3A_125 = arith.andi %add3A_122, %and3A_124 : vector<16xi32>
    %gather3A_126 = tpu.vector_load_idx %arg8[%and3A_125] : memref<16xf32, #tpu.memory_space<vmem>>[vector<16xi32>], vector<16xf32>,
    %min3A_127 = arith.minimumf %min3A_117, %gather3A_126 : vector<16xf32>
    %swap3A_128 = arith.constant 0 : index
    %swap3A_129 = tpu.vector_load %arg8[%swap3A_128] {strides = array<i32>} : memref<16xf32, #tpu.memory_space<vmem>>, vector<16xf32>,
    tpu.vector_store %arg8[%swap3A_128], %min3A_127 {strides = array<i32>} : memref<16xf32, #tpu.memory_space<vmem>>, vector<16xf32>,
    %add3A_130 = arith.constant 2 : i32
    %add3A_131 = vector.broadcast %add3A_130 : i32 to vector<16xi32>
    %add3A_132 = arith.addi %iota3A, %add3A_131 : vector<16xi32>
    %and3A_133 = arith.constant 15 : i32
    %and3A_134 = vector.broadcast %and3A_133 : i32 to vector<16xi32>
    %and3A_135 = arith.andi %add3A_132, %and3A_134 : vector<16xi32>
    %gather3A_136 = tpu.vector_load_idx %arg8[%and3A_135] : memref<16xf32, #tpu.memory_space<vmem>>[vector<16xi32>], vector<16xf32>,
    %min3A_137 = arith.minimumf %min3A_127, %gather3A_136 : vector<16xf32>
    %swap3A_138 = arith.constant 0 : index
    %swap3A_139 = tpu.vector_load %arg8[%swap3A_138] {strides = array<i32>} : memref<16xf32, #tpu.memory_space<vmem>>, vector<16xf32>,
    tpu.vector_store %arg8[%swap3A_138], %min3A_137 {strides = array<i32>} : memref<16xf32, #tpu.memory_space<vmem>>, vector<16xf32>,
    %add3A_140 = arith.constant 1 : i32
    %add3A_141 = vector.broadcast %add3A_140 : i32 to vector<16xi32>
    %add3A_142 = arith.addi %iota3A, %add3A_141 : vector<16xi32>
    %and3A_143 = arith.constant 15 : i32
    %and3A_144 = vector.broadcast %and3A_143 : i32 to vector<16xi32>
    %and3A_145 = arith.andi %add3A_142, %and3A_144 : vector<16xi32>
    %gather3A_146 = tpu.vector_load_idx %arg8[%and3A_145] : memref<16xf32, #tpu.memory_space<vmem>>[vector<16xi32>], vector<16xf32>,
    %min3A_147 = arith.minimumf %min3A_137, %gather3A_146 : vector<16xf32>
    %swap3A_148 = arith.constant 0 : index
    %swap3A_149 = tpu.vector_load %arg8[%swap3A_148] {strides = array<i32>} : memref<16xf32, #tpu.memory_space<vmem>>, vector<16xf32>,
    tpu.vector_store %arg8[%swap3A_148], %max3A_109 {strides = array<i32>} : memref<16xf32, #tpu.memory_space<vmem>>, vector<16xf32>,
    %add3A_150 = arith.constant 8 : i32
    %add3A_151 = vector.broadcast %add3A_150 : i32 to vector<16xi32>
    %add3A_152 = arith.addi %iota3A, %add3A_151 : vector<16xi32>
    %and3A_153 = arith.constant 15 : i32
    %and3A_154 = vector.broadcast %and3A_153 : i32 to vector<16xi32>
    %and3A_155 = arith.andi %add3A_152, %and3A_154 : vector<16xi32>
    %gather3A_156 = tpu.vector_load_idx %arg8[%and3A_155] : memref<16xf32, #tpu.memory_space<vmem>>[vector<16xi32>], vector<16xf32>,
    %max3A_157 = arith.maximumf %max3A_109, %gather3A_156 : vector<16xf32>
    %swap3A_158 = arith.constant 0 : index
    %swap3A_159 = tpu.vector_load %arg8[%swap3A_158] {strides = array<i32>} : memref<16xf32, #tpu.memory_space<vmem>>, vector<16xf32>,
    tpu.vector_store %arg8[%swap3A_158], %max3A_157 {strides = array<i32>} : memref<16xf32, #tpu.memory_space<vmem>>, vector<16xf32>,
    %add3A_160 = arith.constant 4 : i32
    %add3A_161 = vector.broadcast %add3A_160 : i32 to vector<16xi32>
    %add3A_162 = arith.addi %iota3A, %add3A_161 : vector<16xi32>
    %and3A_163 = arith.constant 15 : i32
    %and3A_164 = vector.broadcast %and3A_163 : i32 to vector<16xi32>
    %and3A_165 = arith.andi %add3A_162, %and3A_164 : vector<16xi32>
    %gather3A_166 = tpu.vector_load_idx %arg8[%and3A_165] : memref<16xf32, #tpu.memory_space<vmem>>[vector<16xi32>], vector<16xf32>,
    %max3A_167 = arith.maximumf %max3A_157, %gather3A_166 : vector<16xf32>
    %swap3A_168 = arith.constant 0 : index
    %swap3A_169 = tpu.vector_load %arg8[%swap3A_168] {strides = array<i32>} : memref<16xf32, #tpu.memory_space<vmem>>, vector<16xf32>,
    tpu.vector_store %arg8[%swap3A_168], %max3A_167 {strides = array<i32>} : memref<16xf32, #tpu.memory_space<vmem>>, vector<16xf32>,
    %add3A_170 = arith.constant 2 : i32
    %add3A_171 = vector.broadcast %add3A_170 : i32 to vector<16xi32>
    %add3A_172 = arith.addi %iota3A, %add3A_171 : vector<16xi32>
    %and3A_173 = arith.constant 15 : i32
    %and3A_174 = vector.broadcast %and3A_173 : i32 to vector<16xi32>
    %and3A_175 = arith.andi %add3A_172, %and3A_174 : vector<16xi32>
    %gather3A_176 = tpu.vector_load_idx %arg8[%and3A_175] : memref<16xf32, #tpu.memory_space<vmem>>[vector<16xi32>], vector<16xf32>,
    %max3A_177 = arith.maximumf %max3A_167, %gather3A_176 : vector<16xf32>
    %swap3A_178 = arith.constant 0 : index
    %swap3A_179 = tpu.vector_load %arg8[%swap3A_178] {strides = array<i32>} : memref<16xf32, #tpu.memory_space<vmem>>, vector<16xf32>,
    tpu.vector_store %arg8[%swap3A_178], %max3A_177 {strides = array<i32>} : memref<16xf32, #tpu.memory_space<vmem>>, vector<16xf32>,
    %add3A_180 = arith.constant 1 : i32
    %add3A_181 = vector.broadcast %add3A_180 : i32 to vector<16xi32>
    %add3A_182 = arith.addi %iota3A, %add3A_181 : vector<16xi32>
    %and3A_183 = arith.constant 15 : i32
    %and3A_184 = vector.broadcast %and3A_183 : i32 to vector<16xi32>
    %and3A_185 = arith.andi %add3A_182, %and3A_184 : vector<16xi32>
    %gather3A_186 = tpu.vector_load_idx %arg8[%and3A_185] : memref<16xf32, #tpu.memory_space<vmem>>[vector<16xi32>], vector<16xf32>,
    %max3A_187 = arith.maximumf %max3A_177, %gather3A_186 : vector<16xf32>
    %sub3A = arith.subf %max3A_187, %min3A_147 : vector<16xf32>
    %div3A = arith.constant 5.000000e+02 : f32
    %div3A_188 = vector.broadcast %div3A : f32 to vector<16xf32>
    %div3A_189 = arith.divf %sub3A, %div3A_188 : vector<16xf32>
    %div3A_190 = arith.constant 5.000000e+02 : f32
    %div3A_191 = vector.broadcast %div3A_190 : f32 to vector<16xf32>
    %div3A_192 = arith.divf %div3A_191, %sub3A : vector<16xf32>
    %mul3A_193 = arith.constant 5.000000e-01 : f32
    %mul3A_194 = vector.broadcast %mul3A_193 : f32 to vector<16xf32>
    %mul3A_195 = arith.mulf %div3A_189, %mul3A_194 : vector<16xf32>
    %mul3A_196 = arith.mulf %mul3A_195, %mul3A_195 : vector<16xf32>
    %mul3A_197 = arith.constant 2.000000e+00 : f32
    %mul3A_198 = vector.broadcast %mul3A_197 : f32 to vector<16xf32>
    %mul3A_199 = arith.mulf %mul3A_196, %mul3A_198 : vector<16xf32>
    %div3A_200 = arith.constant 1.000000e+00 : f32
    %div3A_201 = vector.broadcast %div3A_200 : f32 to vector<16xf32>
    %div3A_202 = arith.divf %div3A_201, %mul3A_199 : vector<16xf32>
    %mul3A_203 = arith.mulf %div3A_202, %mul3A_199 : vector<16xf32>
    %mul3A_204 = arith.constant 4.097000e+03 : f32
    %mul3A_205 = vector.broadcast %mul3A_204 : f32 to vector<16xf32>
    %mul3A_206 = arith.mulf %div3A_202, %mul3A_205 : vector<16xf32>
    %sub3A_207 = arith.subf %mul3A_206, %div3A_202 : vector<16xf32>
    %sub3A_208 = arith.subf %mul3A_206, %sub3A_207 : vector<16xf32>
    %sub3A_209 = arith.subf %div3A_202, %sub3A_208 : vector<16xf32>
    %mul3A_210 = arith.constant 4.097000e+03 : f32
    %mul3A_211 = vector.broadcast %mul3A_210 : f32 to vector<16xf32>
    %mul3A_212 = arith.mulf %mul3A_199, %mul3A_211 : vector<16xf32>
    %sub3A_213 = arith.subf %mul3A_212, %mul3A_199 : vector<16xf32>
    %sub3A_214 = arith.subf %mul3A_212, %sub3A_213 : vector<16xf32>
    %sub3A_215 = arith.subf %mul3A_199, %sub3A_214 : vector<16xf32>
    %mul3A_216 = arith.mulf %sub3A_208, %sub3A_214 : vector<16xf32>
    %sub3A_217 = arith.subf %mul3A_216, %mul3A_203 : vector<16xf32>
    %mul3A_218 = arith.mulf %sub3A_208, %sub3A_215 : vector<16xf32>
    %add3A_219 = arith.addf %sub3A_217, %mul3A_218 : vector<16xf32>
    %mul3A_220 = arith.mulf %sub3A_209, %sub3A_214 : vector<16xf32>
    %add3A_221 = arith.addf %add3A_219, %mul3A_220 : vector<16xf32>
    %mul3A_222 = arith.mulf %sub3A_209, %sub3A_215 : vector<16xf32>
    %add3A_223 = arith.addf %add3A_221, %mul3A_222 : vector<16xf32>
    %sub3A_224 = arith.constant 1.000000e+00 : f32
    %sub3A_225 = vector.broadcast %sub3A_224 : f32 to vector<16xf32>
    %sub3A_226 = arith.subf %sub3A_225, %mul3A_203 : vector<16xf32>
    %sub3A_227 = arith.subf %sub3A_226, %add3A_223 : vector<16xf32>
    %mul3A_228 = arith.mulf %sub3A_227, %div3A_202 : vector<16xf32>
    %neg3A = arith.constant 0.000000e+00 : f32
    %neg3A_229 = vector.broadcast %neg3A : f32 to vector<16xf32>
    %neg3A_230 = arith.subf %neg3A_229, %div3A_202 : vector<16xf32>
    %neg3A_231 = arith.constant 0.000000e+00 : f32
    %neg3A_232 = vector.broadcast %neg3A_231 : f32 to vector<16xf32>
    %neg3A_233 = arith.subf %neg3A_232, %mul3A_228 : vector<16xf32>
    %broadcast_in_dim3A = arith.constant 0.000000e+00 : f32
    %broadcast_in_dim3A_234 = vector.broadcast %broadcast_in_dim3A : f32 to vector<16xf32>
    %scan3A_235 = arith.constant 0 : i32
    %scan3A_236 = arith.constant 0 : i32
    %scan3A_237 = arith.constant 512 : i32
    %scan3A_238 = arith.addi %scan3A_236, %scan3A_237 : i32
    %scan3A_239 = arith.constant 1 : i32
    scf.for %scan3A_428 = %scan3A_236 to %scan3A_238 step %scan3A_239  : i32 {
      %mul3A_429 = arith.constant 16 : i32
      %mul3A_430 = arith.muli %scan3A_428, %mul3A_429 : i32
      %swap3A_431 = arith.index_cast %mul3A_430 : i32 to index
      %swap3A_432 = tpu.vector_load %arg6[%swap3A_431] {strides = array<i32>} : memref<8192xf32, #tpu.memory_space<vmem>>, vector<16xf32>,
      tpu.vector_store %arg6[%swap3A_431], %broadcast_in_dim3A_234 {strides = array<i32>} : memref<8192xf32, #tpu.memory_space<vmem>>, vector<16xf32>,
    }
    %scan3A_240 = arith.constant 512 : i32
    %mul3A_241 = arith.constant 512 : i32
    %mul3A_242 = vector.broadcast %mul3A_241 : i32 to vector<16xi32>
    %mul3A_243 = arith.muli %iota3A, %mul3A_242 : vector<16xi32>
    %scan3A_244 = arith.constant 0 : i32
    %scan3A_245 = arith.constant 0 : i32
    %scan3A_246 = arith.constant 256 : i32
    %scan3A_247 = arith.addi %scan3A_245, %scan3A_246 : i32
    %scan3A_248 = arith.constant 1 : i32
    scf.for %scan3A_428 = %scan3A_245 to %scan3A_247 step %scan3A_248  : i32 {
      %mul3A_429 = arith.constant 32 : i32
      %mul3A_430 = arith.muli %scan3A_428, %mul3A_429 : i32
      %add3A_431 = arith.constant 0 : i32
      %add3A_432 = arith.addi %mul3A_430, %add3A_431 : i32
      %get3A_433 = arith.index_cast %add3A_432 : i32 to index
      %get3A_434 = tpu.vector_load %arg5[%get3A_433] {strides = array<i32>} : memref<8192xf32, #tpu.memory_space<vmem>>, vector<16xf32>,
      %sub3A_435 = arith.subf %get3A_434, %min3A_147 : vector<16xf32>
      %mul3A_436 = arith.mulf %sub3A_435, %div3A_192 : vector<16xf32>
      %convert_element_type3A_437 = arith.fptosi %mul3A_436 : vector<16xf32> to vector<16xi32>
      %add3A_438 = arith.constant -3 : i32
      %add3A_439 = vector.broadcast %add3A_438 : i32 to vector<16xi32>
      %add3A_440 = arith.addi %convert_element_type3A_437, %add3A_439 : vector<16xi32>
      %jit3A = arith.constant 0 : i32
      %jit3A_441 = arith.constant 511 : i32
      %max3A_442 = vector.broadcast %jit3A : i32 to vector<16xi32>
      %max3A_443 = arith.maxsi %max3A_442, %add3A_440 : vector<16xi32>
      %min3A_444 = vector.broadcast %jit3A_441 : i32 to vector<16xi32>
      %min3A_445 = arith.minsi %min3A_444, %max3A_443 : vector<16xi32>
      %convert_element_type3A_446 = arith.sitofp %add3A_440 : vector<16xi32> to vector<16xf32>
      %add3A_447 = arith.constant 5.000000e-01 : f32
      %add3A_448 = vector.broadcast %add3A_447 : f32 to vector<16xf32>
      %add3A_449 = arith.addf %convert_element_type3A_446, %add3A_448 : vector<16xf32>
      %mul3A_450 = arith.mulf %div3A_189, %add3A_449 : vector<16xf32>
      %add3A_451 = arith.addf %min3A_147, %mul3A_450 : vector<16xf32>
      %sub3A_452 = arith.subf %get3A_434, %add3A_451 : vector<16xf32>
      %mul3A_453 = arith.mulf %sub3A_452, %sub3A_452 : vector<16xf32>
      %mul3A_454 = arith.mulf %mul3A_453, %neg3A_230 : vector<16xf32>
      %mul3A_455 = arith.mulf %mul3A_453, %neg3A_233 : vector<16xf32>
      %add3A_456 = arith.addf %mul3A_454, %mul3A_455 : vector<16xf32>
      %exp3A = math.exp %add3A_456 : vector<16xf32>
      %ge3A = arith.constant 0 : i32
      %ge3A_457 = vector.broadcast %ge3A : i32 to vector<16xi32>
      %ge3A_458 = arith.cmpi sge, %add3A_440, %ge3A_457 : vector<16xi32>
      %lt3A = arith.constant 500 : i32
      %lt3A_459 = vector.broadcast %lt3A : i32 to vector<16xi32>
      %lt3A_460 = arith.cmpi slt, %add3A_440, %lt3A_459 : vector<16xi32>
      %and3A_461 = arith.andi %ge3A_458, %lt3A_460 : vector<16xi1>
      %add3A_462 = arith.addi %min3A_445, %mul3A_243 : vector<16xi32>
      tpu.vector_store_idx %arg6[%add3A_462], %exp3A masked %and3A_461 {add = true} : memref<8192xf32, #tpu.memory_space<vmem>>[vector<16xi32>], vector<16xf32>, vector<16xi1>
      %add3A_463 = arith.constant -2 : i32
      %add3A_464 = vector.broadcast %add3A_463 : i32 to vector<16xi32>
      %add3A_465 = arith.addi %convert_element_type3A_437, %add3A_464 : vector<16xi32>
      %jit3A_466 = arith.constant 0 : i32
      %jit3A_467 = arith.constant 511 : i32
      %max3A_468 = vector.broadcast %jit3A_466 : i32 to vector<16xi32>
      %max3A_469 = arith.maxsi %max3A_468, %add3A_465 : vector<16xi32>
      %min3A_470 = vector.broadcast %jit3A_467 : i32 to vector<16xi32>
      %min3A_471 = arith.minsi %min3A_470, %max3A_469 : vector<16xi32>
      %convert_element_type3A_472 = arith.sitofp %add3A_465 : vector<16xi32> to vector<16xf32>
      %add3A_473 = arith.constant 5.000000e-01 : f32
      %add3A_474 = vector.broadcast %add3A_473 : f32 to vector<16xf32>
      %add3A_475 = arith.addf %convert_element_type3A_472, %add3A_474 : vector<16xf32>
      %mul3A_476 = arith.mulf %div3A_189, %add3A_475 : vector<16xf32>
      %add3A_477 = arith.addf %min3A_147, %mul3A_476 : vector<16xf32>
      %sub3A_478 = arith.subf %get3A_434, %add3A_477 : vector<16xf32>
      %mul3A_479 = arith.mulf %sub3A_478, %sub3A_478 : vector<16xf32>
      %mul3A_480 = arith.mulf %mul3A_479, %neg3A_230 : vector<16xf32>
      %mul3A_481 = arith.mulf %mul3A_479, %neg3A_233 : vector<16xf32>
      %add3A_482 = arith.addf %mul3A_480, %mul3A_481 : vector<16xf32>
      %exp3A_483 = math.exp %add3A_482 : vector<16xf32>
      %ge3A_484 = arith.constant 0 : i32
      %ge3A_485 = vector.broadcast %ge3A_484 : i32 to vector<16xi32>
      %ge3A_486 = arith.cmpi sge, %add3A_465, %ge3A_485 : vector<16xi32>
      %lt3A_487 = arith.constant 500 : i32
      %lt3A_488 = vector.broadcast %lt3A_487 : i32 to vector<16xi32>
      %lt3A_489 = arith.cmpi slt, %add3A_465, %lt3A_488 : vector<16xi32>
      %and3A_490 = arith.andi %ge3A_486, %lt3A_489 : vector<16xi1>
      %add3A_491 = arith.addi %min3A_471, %mul3A_243 : vector<16xi32>
      tpu.vector_store_idx %arg6[%add3A_491], %exp3A_483 masked %and3A_490 {add = true} : memref<8192xf32, #tpu.memory_space<vmem>>[vector<16xi32>], vector<16xf32>, vector<16xi1>
      %add3A_492 = arith.constant -1 : i32
      %add3A_493 = vector.broadcast %add3A_492 : i32 to vector<16xi32>
      %add3A_494 = arith.addi %convert_element_type3A_437, %add3A_493 : vector<16xi32>
      %jit3A_495 = arith.constant 0 : i32
      %jit3A_496 = arith.constant 511 : i32
      %max3A_497 = vector.broadcast %jit3A_495 : i32 to vector<16xi32>
      %max3A_498 = arith.maxsi %max3A_497, %add3A_494 : vector<16xi32>
      %min3A_499 = vector.broadcast %jit3A_496 : i32 to vector<16xi32>
      %min3A_500 = arith.minsi %min3A_499, %max3A_498 : vector<16xi32>
      %convert_element_type3A_501 = arith.sitofp %add3A_494 : vector<16xi32> to vector<16xf32>
      %add3A_502 = arith.constant 5.000000e-01 : f32
      %add3A_503 = vector.broadcast %add3A_502 : f32 to vector<16xf32>
      %add3A_504 = arith.addf %convert_element_type3A_501, %add3A_503 : vector<16xf32>
      %mul3A_505 = arith.mulf %div3A_189, %add3A_504 : vector<16xf32>
      %add3A_506 = arith.addf %min3A_147, %mul3A_505 : vector<16xf32>
      %sub3A_507 = arith.subf %get3A_434, %add3A_506 : vector<16xf32>
      %mul3A_508 = arith.mulf %sub3A_507, %sub3A_507 : vector<16xf32>
      %mul3A_509 = arith.mulf %mul3A_508, %neg3A_230 : vector<16xf32>
      %mul3A_510 = arith.mulf %mul3A_508, %neg3A_233 : vector<16xf32>
      %add3A_511 = arith.addf %mul3A_509, %mul3A_510 : vector<16xf32>
      %exp3A_512 = math.exp %add3A_511 : vector<16xf32>
      %ge3A_513 = arith.constant 0 : i32
      %ge3A_514 = vector.broadcast %ge3A_513 : i32 to vector<16xi32>
      %ge3A_515 = arith.cmpi sge, %add3A_494, %ge3A_514 : vector<16xi32>
      %lt3A_516 = arith.constant 500 : i32
      %lt3A_517 = vector.broadcast %lt3A_516 : i32 to vector<16xi32>
      %lt3A_518 = arith.cmpi slt, %add3A_494, %lt3A_517 : vector<16xi32>
      %and3A_519 = arith.andi %ge3A_515, %lt3A_518 : vector<16xi1>
      %add3A_520 = arith.addi %min3A_500, %mul3A_243 : vector<16xi32>
      tpu.vector_store_idx %arg6[%add3A_520], %exp3A_512 masked %and3A_519 {add = true} : memref<8192xf32, #tpu.memory_space<vmem>>[vector<16xi32>], vector<16xf32>, vector<16xi1>
      %add3A_521 = arith.constant 0 : i32
      %add3A_522 = vector.broadcast %add3A_521 : i32 to vector<16xi32>
      %add3A_523 = arith.addi %convert_element_type3A_437, %add3A_522 : vector<16xi32>
      %jit3A_524 = arith.constant 0 : i32
      %jit3A_525 = arith.constant 511 : i32
      %max3A_526 = vector.broadcast %jit3A_524 : i32 to vector<16xi32>
      %max3A_527 = arith.maxsi %max3A_526, %add3A_523 : vector<16xi32>
      %min3A_528 = vector.broadcast %jit3A_525 : i32 to vector<16xi32>
      %min3A_529 = arith.minsi %min3A_528, %max3A_527 : vector<16xi32>
      %convert_element_type3A_530 = arith.sitofp %add3A_523 : vector<16xi32> to vector<16xf32>
      %add3A_531 = arith.constant 5.000000e-01 : f32
      %add3A_532 = vector.broadcast %add3A_531 : f32 to vector<16xf32>
      %add3A_533 = arith.addf %convert_element_type3A_530, %add3A_532 : vector<16xf32>
      %mul3A_534 = arith.mulf %div3A_189, %add3A_533 : vector<16xf32>
      %add3A_535 = arith.addf %min3A_147, %mul3A_534 : vector<16xf32>
      %sub3A_536 = arith.subf %get3A_434, %add3A_535 : vector<16xf32>
      %mul3A_537 = arith.mulf %sub3A_536, %sub3A_536 : vector<16xf32>
      %mul3A_538 = arith.mulf %mul3A_537, %neg3A_230 : vector<16xf32>
      %mul3A_539 = arith.mulf %mul3A_537, %neg3A_233 : vector<16xf32>
      %add3A_540 = arith.addf %mul3A_538, %mul3A_539 : vector<16xf32>
      %exp3A_541 = math.exp %add3A_540 : vector<16xf32>
      %ge3A_542 = arith.constant 0 : i32
      %ge3A_543 = vector.broadcast %ge3A_542 : i32 to vector<16xi32>
      %ge3A_544 = arith.cmpi sge, %add3A_523, %ge3A_543 : vector<16xi32>
      %lt3A_545 = arith.constant 500 : i32
      %lt3A_546 = vector.broadcast %lt3A_545 : i32 to vector<16xi32>
      %lt3A_547 = arith.cmpi slt, %add3A_523, %lt3A_546 : vector<16xi32>
      %and3A_548 = arith.andi %ge3A_544, %lt3A_547 : vector<16xi1>
      %add3A_549 = arith.addi %min3A_529, %mul3A_243 : vector<16xi32>
      tpu.vector_store_idx %arg6[%add3A_549], %exp3A_541 masked %and3A_548 {add = true} : memref<8192xf32, #tpu.memory_space<vmem>>[vector<16xi32>], vector<16xf32>, vector<16xi1>
      %add3A_550 = arith.constant 1 : i32
      %add3A_551 = vector.broadcast %add3A_550 : i32 to vector<16xi32>
      %add3A_552 = arith.addi %convert_element_type3A_437, %add3A_551 : vector<16xi32>
      %jit3A_553 = arith.constant 0 : i32
      %jit3A_554 = arith.constant 511 : i32
      %max3A_555 = vector.broadcast %jit3A_553 : i32 to vector<16xi32>
      %max3A_556 = arith.maxsi %max3A_555, %add3A_552 : vector<16xi32>
      %min3A_557 = vector.broadcast %jit3A_554 : i32 to vector<16xi32>
      %min3A_558 = arith.minsi %min3A_557, %max3A_556 : vector<16xi32>
      %convert_element_type3A_559 = arith.sitofp %add3A_552 : vector<16xi32> to vector<16xf32>
      %add3A_560 = arith.constant 5.000000e-01 : f32
      %add3A_561 = vector.broadcast %add3A_560 : f32 to vector<16xf32>
      %add3A_562 = arith.addf %convert_element_type3A_559, %add3A_561 : vector<16xf32>
      %mul3A_563 = arith.mulf %div3A_189, %add3A_562 : vector<16xf32>
      %add3A_564 = arith.addf %min3A_147, %mul3A_563 : vector<16xf32>
      %sub3A_565 = arith.subf %get3A_434, %add3A_564 : vector<16xf32>
      %mul3A_566 = arith.mulf %sub3A_565, %sub3A_565 : vector<16xf32>
      %mul3A_567 = arith.mulf %mul3A_566, %neg3A_230 : vector<16xf32>
      %mul3A_568 = arith.mulf %mul3A_566, %neg3A_233 : vector<16xf32>
      %add3A_569 = arith.addf %mul3A_567, %mul3A_568 : vector<16xf32>
      %exp3A_570 = math.exp %add3A_569 : vector<16xf32>
      %ge3A_571 = arith.constant 0 : i32
      %ge3A_572 = vector.broadcast %ge3A_571 : i32 to vector<16xi32>
      %ge3A_573 = arith.cmpi sge, %add3A_552, %ge3A_572 : vector<16xi32>
      %lt3A_574 = arith.constant 500 : i32
      %lt3A_575 = vector.broadcast %lt3A_574 : i32 to vector<16xi32>
      %lt3A_576 = arith.cmpi slt, %add3A_552, %lt3A_575 : vector<16xi32>
      %and3A_577 = arith.andi %ge3A_573, %lt3A_576 : vector<16xi1>
      %add3A_578 = arith.addi %min3A_558, %mul3A_243 : vector<16xi32>
      tpu.vector_store_idx %arg6[%add3A_578], %exp3A_570 masked %and3A_577 {add = true} : memref<8192xf32, #tpu.memory_space<vmem>>[vector<16xi32>], vector<16xf32>, vector<16xi1>
      %add3A_579 = arith.constant 2 : i32
      %add3A_580 = vector.broadcast %add3A_579 : i32 to vector<16xi32>
      %add3A_581 = arith.addi %convert_element_type3A_437, %add3A_580 : vector<16xi32>
      %jit3A_582 = arith.constant 0 : i32
      %jit3A_583 = arith.constant 511 : i32
      %max3A_584 = vector.broadcast %jit3A_582 : i32 to vector<16xi32>
      %max3A_585 = arith.maxsi %max3A_584, %add3A_581 : vector<16xi32>
      %min3A_586 = vector.broadcast %jit3A_583 : i32 to vector<16xi32>
      %min3A_587 = arith.minsi %min3A_586, %max3A_585 : vector<16xi32>
      %convert_element_type3A_588 = arith.sitofp %add3A_581 : vector<16xi32> to vector<16xf32>
      %add3A_589 = arith.constant 5.000000e-01 : f32
      %add3A_590 = vector.broadcast %add3A_589 : f32 to vector<16xf32>
      %add3A_591 = arith.addf %convert_element_type3A_588, %add3A_590 : vector<16xf32>
      %mul3A_592 = arith.mulf %div3A_189, %add3A_591 : vector<16xf32>
      %add3A_593 = arith.addf %min3A_147, %mul3A_592 : vector<16xf32>
      %sub3A_594 = arith.subf %get3A_434, %add3A_593 : vector<16xf32>
      %mul3A_595 = arith.mulf %sub3A_594, %sub3A_594 : vector<16xf32>
      %mul3A_596 = arith.mulf %mul3A_595, %neg3A_230 : vector<16xf32>
      %mul3A_597 = arith.mulf %mul3A_595, %neg3A_233 : vector<16xf32>
      %add3A_598 = arith.addf %mul3A_596, %mul3A_597 : vector<16xf32>
      %exp3A_599 = math.exp %add3A_598 : vector<16xf32>
      %ge3A_600 = arith.constant 0 : i32
      %ge3A_601 = vector.broadcast %ge3A_600 : i32 to vector<16xi32>
      %ge3A_602 = arith.cmpi sge, %add3A_581, %ge3A_601 : vector<16xi32>
      %lt3A_603 = arith.constant 500 : i32
      %lt3A_604 = vector.broadcast %lt3A_603 : i32 to vector<16xi32>
      %lt3A_605 = arith.cmpi slt, %add3A_581, %lt3A_604 : vector<16xi32>
      %and3A_606 = arith.andi %ge3A_602, %lt3A_605 : vector<16xi1>
      %add3A_607 = arith.addi %min3A_587, %mul3A_243 : vector<16xi32>
      tpu.vector_store_idx %arg6[%add3A_607], %exp3A_599 masked %and3A_606 {add = true} : memref<8192xf32, #tpu.memory_space<vmem>>[vector<16xi32>], vector<16xf32>, vector<16xi1>
      %add3A_608 = arith.constant 3 : i32
      %add3A_609 = vector.broadcast %add3A_608 : i32 to vector<16xi32>
      %add3A_610 = arith.addi %convert_element_type3A_437, %add3A_609 : vector<16xi32>
      %jit3A_611 = arith.constant 0 : i32
      %jit3A_612 = arith.constant 511 : i32
      %max3A_613 = vector.broadcast %jit3A_611 : i32 to vector<16xi32>
      %max3A_614 = arith.maxsi %max3A_613, %add3A_610 : vector<16xi32>
      %min3A_615 = vector.broadcast %jit3A_612 : i32 to vector<16xi32>
      %min3A_616 = arith.minsi %min3A_615, %max3A_614 : vector<16xi32>
      %convert_element_type3A_617 = arith.sitofp %add3A_610 : vector<16xi32> to vector<16xf32>
      %add3A_618 = arith.constant 5.000000e-01 : f32
      %add3A_619 = vector.broadcast %add3A_618 : f32 to vector<16xf32>
      %add3A_620 = arith.addf %convert_element_type3A_617, %add3A_619 : vector<16xf32>
      %mul3A_621 = arith.mulf %div3A_189, %add3A_620 : vector<16xf32>
      %add3A_622 = arith.addf %min3A_147, %mul3A_621 : vector<16xf32>
      %sub3A_623 = arith.subf %get3A_434, %add3A_622 : vector<16xf32>
      %mul3A_624 = arith.mulf %sub3A_623, %sub3A_623 : vector<16xf32>
      %mul3A_625 = arith.mulf %mul3A_624, %neg3A_230 : vector<16xf32>
      %mul3A_626 = arith.mulf %mul3A_624, %neg3A_233 : vector<16xf32>
      %add3A_627 = arith.addf %mul3A_625, %mul3A_626 : vector<16xf32>
      %exp3A_628 = math.exp %add3A_627 : vector<16xf32>
      %ge3A_629 = arith.constant 0 : i32
      %ge3A_630 = vector.broadcast %ge3A_629 : i32 to vector<16xi32>
      %ge3A_631 = arith.cmpi sge, %add3A_610, %ge3A_630 : vector<16xi32>
      %lt3A_632 = arith.constant 500 : i32
      %lt3A_633 = vector.broadcast %lt3A_632 : i32 to vector<16xi32>
      %lt3A_634 = arith.cmpi slt, %add3A_610, %lt3A_633 : vector<16xi32>
      %and3A_635 = arith.andi %ge3A_631, %lt3A_634 : vector<16xi1>
      %add3A_636 = arith.addi %min3A_616, %mul3A_243 : vector<16xi32>
      tpu.vector_store_idx %arg6[%add3A_636], %exp3A_628 masked %and3A_635 {add = true} : memref<8192xf32, #tpu.memory_space<vmem>>[vector<16xi32>], vector<16xf32>, vector<16xi1>
      %mul3A_637 = arith.constant 32 : i32
      %mul3A_638 = arith.muli %scan3A_428, %mul3A_637 : i32
      %add3A_639 = arith.constant 16 : i32
      %add3A_640 = arith.addi %mul3A_638, %add3A_639 : i32
      %get3A_641 = arith.index_cast %add3A_640 : i32 to index
      %get3A_642 = tpu.vector_load %arg5[%get3A_641] {strides = array<i32>} : memref<8192xf32, #tpu.memory_space<vmem>>, vector<16xf32>,
      %sub3A_643 = arith.subf %get3A_642, %min3A_147 : vector<16xf32>
      %mul3A_644 = arith.mulf %sub3A_643, %div3A_192 : vector<16xf32>
      %convert_element_type3A_645 = arith.fptosi %mul3A_644 : vector<16xf32> to vector<16xi32>
      %add3A_646 = arith.constant -3 : i32
      %add3A_647 = vector.broadcast %add3A_646 : i32 to vector<16xi32>
      %add3A_648 = arith.addi %convert_element_type3A_645, %add3A_647 : vector<16xi32>
      %jit3A_649 = arith.constant 0 : i32
      %jit3A_650 = arith.constant 511 : i32
      %max3A_651 = vector.broadcast %jit3A_649 : i32 to vector<16xi32>
      %max3A_652 = arith.maxsi %max3A_651, %add3A_648 : vector<16xi32>
      %min3A_653 = vector.broadcast %jit3A_650 : i32 to vector<16xi32>
      %min3A_654 = arith.minsi %min3A_653, %max3A_652 : vector<16xi32>
      %convert_element_type3A_655 = arith.sitofp %add3A_648 : vector<16xi32> to vector<16xf32>
      %add3A_656 = arith.constant 5.000000e-01 : f32
      %add3A_657 = vector.broadcast %add3A_656 : f32 to vector<16xf32>
      %add3A_658 = arith.addf %convert_element_type3A_655, %add3A_657 : vector<16xf32>
      %mul3A_659 = arith.mulf %div3A_189, %add3A_658 : vector<16xf32>
      %add3A_660 = arith.addf %min3A_147, %mul3A_659 : vector<16xf32>
      %sub3A_661 = arith.subf %get3A_642, %add3A_660 : vector<16xf32>
      %mul3A_662 = arith.mulf %sub3A_661, %sub3A_661 : vector<16xf32>
      %mul3A_663 = arith.mulf %mul3A_662, %neg3A_230 : vector<16xf32>
      %mul3A_664 = arith.mulf %mul3A_662, %neg3A_233 : vector<16xf32>
      %add3A_665 = arith.addf %mul3A_663, %mul3A_664 : vector<16xf32>
      %exp3A_666 = math.exp %add3A_665 : vector<16xf32>
      %ge3A_667 = arith.constant 0 : i32
      %ge3A_668 = vector.broadcast %ge3A_667 : i32 to vector<16xi32>
      %ge3A_669 = arith.cmpi sge, %add3A_648, %ge3A_668 : vector<16xi32>
      %lt3A_670 = arith.constant 500 : i32
      %lt3A_671 = vector.broadcast %lt3A_670 : i32 to vector<16xi32>
      %lt3A_672 = arith.cmpi slt, %add3A_648, %lt3A_671 : vector<16xi32>
      %and3A_673 = arith.andi %ge3A_669, %lt3A_672 : vector<16xi1>
      %add3A_674 = arith.addi %min3A_654, %mul3A_243 : vector<16xi32>
      tpu.vector_store_idx %arg6[%add3A_674], %exp3A_666 masked %and3A_673 {add = true} : memref<8192xf32, #tpu.memory_space<vmem>>[vector<16xi32>], vector<16xf32>, vector<16xi1>
      %add3A_675 = arith.constant -2 : i32
      %add3A_676 = vector.broadcast %add3A_675 : i32 to vector<16xi32>
      %add3A_677 = arith.addi %convert_element_type3A_645, %add3A_676 : vector<16xi32>
      %jit3A_678 = arith.constant 0 : i32
      %jit3A_679 = arith.constant 511 : i32
      %max3A_680 = vector.broadcast %jit3A_678 : i32 to vector<16xi32>
      %max3A_681 = arith.maxsi %max3A_680, %add3A_677 : vector<16xi32>
      %min3A_682 = vector.broadcast %jit3A_679 : i32 to vector<16xi32>
      %min3A_683 = arith.minsi %min3A_682, %max3A_681 : vector<16xi32>
      %convert_element_type3A_684 = arith.sitofp %add3A_677 : vector<16xi32> to vector<16xf32>
      %add3A_685 = arith.constant 5.000000e-01 : f32
      %add3A_686 = vector.broadcast %add3A_685 : f32 to vector<16xf32>
      %add3A_687 = arith.addf %convert_element_type3A_684, %add3A_686 : vector<16xf32>
      %mul3A_688 = arith.mulf %div3A_189, %add3A_687 : vector<16xf32>
      %add3A_689 = arith.addf %min3A_147, %mul3A_688 : vector<16xf32>
      %sub3A_690 = arith.subf %get3A_642, %add3A_689 : vector<16xf32>
      %mul3A_691 = arith.mulf %sub3A_690, %sub3A_690 : vector<16xf32>
      %mul3A_692 = arith.mulf %mul3A_691, %neg3A_230 : vector<16xf32>
      %mul3A_693 = arith.mulf %mul3A_691, %neg3A_233 : vector<16xf32>
      %add3A_694 = arith.addf %mul3A_692, %mul3A_693 : vector<16xf32>
      %exp3A_695 = math.exp %add3A_694 : vector<16xf32>
      %ge3A_696 = arith.constant 0 : i32
      %ge3A_697 = vector.broadcast %ge3A_696 : i32 to vector<16xi32>
      %ge3A_698 = arith.cmpi sge, %add3A_677, %ge3A_697 : vector<16xi32>
      %lt3A_699 = arith.constant 500 : i32
      %lt3A_700 = vector.broadcast %lt3A_699 : i32 to vector<16xi32>
      %lt3A_701 = arith.cmpi slt, %add3A_677, %lt3A_700 : vector<16xi32>
      %and3A_702 = arith.andi %ge3A_698, %lt3A_701 : vector<16xi1>
      %add3A_703 = arith.addi %min3A_683, %mul3A_243 : vector<16xi32>
      tpu.vector_store_idx %arg6[%add3A_703], %exp3A_695 masked %and3A_702 {add = true} : memref<8192xf32, #tpu.memory_space<vmem>>[vector<16xi32>], vector<16xf32>, vector<16xi1>
      %add3A_704 = arith.constant -1 : i32
      %add3A_705 = vector.broadcast %add3A_704 : i32 to vector<16xi32>
      %add3A_706 = arith.addi %convert_element_type3A_645, %add3A_705 : vector<16xi32>
      %jit3A_707 = arith.constant 0 : i32
      %jit3A_708 = arith.constant 511 : i32
      %max3A_709 = vector.broadcast %jit3A_707 : i32 to vector<16xi32>
      %max3A_710 = arith.maxsi %max3A_709, %add3A_706 : vector<16xi32>
      %min3A_711 = vector.broadcast %jit3A_708 : i32 to vector<16xi32>
      %min3A_712 = arith.minsi %min3A_711, %max3A_710 : vector<16xi32>
      %convert_element_type3A_713 = arith.sitofp %add3A_706 : vector<16xi32> to vector<16xf32>
      %add3A_714 = arith.constant 5.000000e-01 : f32
      %add3A_715 = vector.broadcast %add3A_714 : f32 to vector<16xf32>
      %add3A_716 = arith.addf %convert_element_type3A_713, %add3A_715 : vector<16xf32>
      %mul3A_717 = arith.mulf %div3A_189, %add3A_716 : vector<16xf32>
      %add3A_718 = arith.addf %min3A_147, %mul3A_717 : vector<16xf32>
      %sub3A_719 = arith.subf %get3A_642, %add3A_718 : vector<16xf32>
      %mul3A_720 = arith.mulf %sub3A_719, %sub3A_719 : vector<16xf32>
      %mul3A_721 = arith.mulf %mul3A_720, %neg3A_230 : vector<16xf32>
      %mul3A_722 = arith.mulf %mul3A_720, %neg3A_233 : vector<16xf32>
      %add3A_723 = arith.addf %mul3A_721, %mul3A_722 : vector<16xf32>
      %exp3A_724 = math.exp %add3A_723 : vector<16xf32>
      %ge3A_725 = arith.constant 0 : i32
      %ge3A_726 = vector.broadcast %ge3A_725 : i32 to vector<16xi32>
      %ge3A_727 = arith.cmpi sge, %add3A_706, %ge3A_726 : vector<16xi32>
      %lt3A_728 = arith.constant 500 : i32
      %lt3A_729 = vector.broadcast %lt3A_728 : i32 to vector<16xi32>
      %lt3A_730 = arith.cmpi slt, %add3A_706, %lt3A_729 : vector<16xi32>
      %and3A_731 = arith.andi %ge3A_727, %lt3A_730 : vector<16xi1>
      %add3A_732 = arith.addi %min3A_712, %mul3A_243 : vector<16xi32>
      tpu.vector_store_idx %arg6[%add3A_732], %exp3A_724 masked %and3A_731 {add = true} : memref<8192xf32, #tpu.memory_space<vmem>>[vector<16xi32>], vector<16xf32>, vector<16xi1>
      %add3A_733 = arith.constant 0 : i32
      %add3A_734 = vector.broadcast %add3A_733 : i32 to vector<16xi32>
      %add3A_735 = arith.addi %convert_element_type3A_645, %add3A_734 : vector<16xi32>
      %jit3A_736 = arith.constant 0 : i32
      %jit3A_737 = arith.constant 511 : i32
      %max3A_738 = vector.broadcast %jit3A_736 : i32 to vector<16xi32>
      %max3A_739 = arith.maxsi %max3A_738, %add3A_735 : vector<16xi32>
      %min3A_740 = vector.broadcast %jit3A_737 : i32 to vector<16xi32>
      %min3A_741 = arith.minsi %min3A_740, %max3A_739 : vector<16xi32>
      %convert_element_type3A_742 = arith.sitofp %add3A_735 : vector<16xi32> to vector<16xf32>
      %add3A_743 = arith.constant 5.000000e-01 : f32
      %add3A_744 = vector.broadcast %add3A_743 : f32 to vector<16xf32>
      %add3A_745 = arith.addf %convert_element_type3A_742, %add3A_744 : vector<16xf32>
      %mul3A_746 = arith.mulf %div3A_189, %add3A_745 : vector<16xf32>
      %add3A_747 = arith.addf %min3A_147, %mul3A_746 : vector<16xf32>
      %sub3A_748 = arith.subf %get3A_642, %add3A_747 : vector<16xf32>
      %mul3A_749 = arith.mulf %sub3A_748, %sub3A_748 : vector<16xf32>
      %mul3A_750 = arith.mulf %mul3A_749, %neg3A_230 : vector<16xf32>
      %mul3A_751 = arith.mulf %mul3A_749, %neg3A_233 : vector<16xf32>
      %add3A_752 = arith.addf %mul3A_750, %mul3A_751 : vector<16xf32>
      %exp3A_753 = math.exp %add3A_752 : vector<16xf32>
      %ge3A_754 = arith.constant 0 : i32
      %ge3A_755 = vector.broadcast %ge3A_754 : i32 to vector<16xi32>
      %ge3A_756 = arith.cmpi sge, %add3A_735, %ge3A_755 : vector<16xi32>
      %lt3A_757 = arith.constant 500 : i32
      %lt3A_758 = vector.broadcast %lt3A_757 : i32 to vector<16xi32>
      %lt3A_759 = arith.cmpi slt, %add3A_735, %lt3A_758 : vector<16xi32>
      %and3A_760 = arith.andi %ge3A_756, %lt3A_759 : vector<16xi1>
      %add3A_761 = arith.addi %min3A_741, %mul3A_243 : vector<16xi32>
      tpu.vector_store_idx %arg6[%add3A_761], %exp3A_753 masked %and3A_760 {add = true} : memref<8192xf32, #tpu.memory_space<vmem>>[vector<16xi32>], vector<16xf32>, vector<16xi1>
      %add3A_762 = arith.constant 1 : i32
      %add3A_763 = vector.broadcast %add3A_762 : i32 to vector<16xi32>
      %add3A_764 = arith.addi %convert_element_type3A_645, %add3A_763 : vector<16xi32>
      %jit3A_765 = arith.constant 0 : i32
      %jit3A_766 = arith.constant 511 : i32
      %max3A_767 = vector.broadcast %jit3A_765 : i32 to vector<16xi32>
      %max3A_768 = arith.maxsi %max3A_767, %add3A_764 : vector<16xi32>
      %min3A_769 = vector.broadcast %jit3A_766 : i32 to vector<16xi32>
      %min3A_770 = arith.minsi %min3A_769, %max3A_768 : vector<16xi32>
      %convert_element_type3A_771 = arith.sitofp %add3A_764 : vector<16xi32> to vector<16xf32>
      %add3A_772 = arith.constant 5.000000e-01 : f32
      %add3A_773 = vector.broadcast %add3A_772 : f32 to vector<16xf32>
      %add3A_774 = arith.addf %convert_element_type3A_771, %add3A_773 : vector<16xf32>
      %mul3A_775 = arith.mulf %div3A_189, %add3A_774 : vector<16xf32>
      %add3A_776 = arith.addf %min3A_147, %mul3A_775 : vector<16xf32>
      %sub3A_777 = arith.subf %get3A_642, %add3A_776 : vector<16xf32>
      %mul3A_778 = arith.mulf %sub3A_777, %sub3A_777 : vector<16xf32>
      %mul3A_779 = arith.mulf %mul3A_778, %neg3A_230 : vector<16xf32>
      %mul3A_780 = arith.mulf %mul3A_778, %neg3A_233 : vector<16xf32>
      %add3A_781 = arith.addf %mul3A_779, %mul3A_780 : vector<16xf32>
      %exp3A_782 = math.exp %add3A_781 : vector<16xf32>
      %ge3A_783 = arith.constant 0 : i32
      %ge3A_784 = vector.broadcast %ge3A_783 : i32 to vector<16xi32>
      %ge3A_785 = arith.cmpi sge, %add3A_764, %ge3A_784 : vector<16xi32>
      %lt3A_786 = arith.constant 500 : i32
      %lt3A_787 = vector.broadcast %lt3A_786 : i32 to vector<16xi32>
      %lt3A_788 = arith.cmpi slt, %add3A_764, %lt3A_787 : vector<16xi32>
      %and3A_789 = arith.andi %ge3A_785, %lt3A_788 : vector<16xi1>
      %add3A_790 = arith.addi %min3A_770, %mul3A_243 : vector<16xi32>
      tpu.vector_store_idx %arg6[%add3A_790], %exp3A_782 masked %and3A_789 {add = true} : memref<8192xf32, #tpu.memory_space<vmem>>[vector<16xi32>], vector<16xf32>, vector<16xi1>
      %add3A_791 = arith.constant 2 : i32
      %add3A_792 = vector.broadcast %add3A_791 : i32 to vector<16xi32>
      %add3A_793 = arith.addi %convert_element_type3A_645, %add3A_792 : vector<16xi32>
      %jit3A_794 = arith.constant 0 : i32
      %jit3A_795 = arith.constant 511 : i32
      %max3A_796 = vector.broadcast %jit3A_794 : i32 to vector<16xi32>
      %max3A_797 = arith.maxsi %max3A_796, %add3A_793 : vector<16xi32>
      %min3A_798 = vector.broadcast %jit3A_795 : i32 to vector<16xi32>
      %min3A_799 = arith.minsi %min3A_798, %max3A_797 : vector<16xi32>
      %convert_element_type3A_800 = arith.sitofp %add3A_793 : vector<16xi32> to vector<16xf32>
      %add3A_801 = arith.constant 5.000000e-01 : f32
      %add3A_802 = vector.broadcast %add3A_801 : f32 to vector<16xf32>
      %add3A_803 = arith.addf %convert_element_type3A_800, %add3A_802 : vector<16xf32>
      %mul3A_804 = arith.mulf %div3A_189, %add3A_803 : vector<16xf32>
      %add3A_805 = arith.addf %min3A_147, %mul3A_804 : vector<16xf32>
      %sub3A_806 = arith.subf %get3A_642, %add3A_805 : vector<16xf32>
      %mul3A_807 = arith.mulf %sub3A_806, %sub3A_806 : vector<16xf32>
      %mul3A_808 = arith.mulf %mul3A_807, %neg3A_230 : vector<16xf32>
      %mul3A_809 = arith.mulf %mul3A_807, %neg3A_233 : vector<16xf32>
      %add3A_810 = arith.addf %mul3A_808, %mul3A_809 : vector<16xf32>
      %exp3A_811 = math.exp %add3A_810 : vector<16xf32>
      %ge3A_812 = arith.constant 0 : i32
      %ge3A_813 = vector.broadcast %ge3A_812 : i32 to vector<16xi32>
      %ge3A_814 = arith.cmpi sge, %add3A_793, %ge3A_813 : vector<16xi32>
      %lt3A_815 = arith.constant 500 : i32
      %lt3A_816 = vector.broadcast %lt3A_815 : i32 to vector<16xi32>
      %lt3A_817 = arith.cmpi slt, %add3A_793, %lt3A_816 : vector<16xi32>
      %and3A_818 = arith.andi %ge3A_814, %lt3A_817 : vector<16xi1>
      %add3A_819 = arith.addi %min3A_799, %mul3A_243 : vector<16xi32>
      tpu.vector_store_idx %arg6[%add3A_819], %exp3A_811 masked %and3A_818 {add = true} : memref<8192xf32, #tpu.memory_space<vmem>>[vector<16xi32>], vector<16xf32>, vector<16xi1>
      %add3A_820 = arith.constant 3 : i32
      %add3A_821 = vector.broadcast %add3A_820 : i32 to vector<16xi32>
      %add3A_822 = arith.addi %convert_element_type3A_645, %add3A_821 : vector<16xi32>
      %jit3A_823 = arith.constant 0 : i32
      %jit3A_824 = arith.constant 511 : i32
      %max3A_825 = vector.broadcast %jit3A_823 : i32 to vector<16xi32>
      %max3A_826 = arith.maxsi %max3A_825, %add3A_822 : vector<16xi32>
      %min3A_827 = vector.broadcast %jit3A_824 : i32 to vector<16xi32>
      %min3A_828 = arith.minsi %min3A_827, %max3A_826 : vector<16xi32>
      %convert_element_type3A_829 = arith.sitofp %add3A_822 : vector<16xi32> to vector<16xf32>
      %add3A_830 = arith.constant 5.000000e-01 : f32
      %add3A_831 = vector.broadcast %add3A_830 : f32 to vector<16xf32>
      %add3A_832 = arith.addf %convert_element_type3A_829, %add3A_831 : vector<16xf32>
      %mul3A_833 = arith.mulf %div3A_189, %add3A_832 : vector<16xf32>
      %add3A_834 = arith.addf %min3A_147, %mul3A_833 : vector<16xf32>
      %sub3A_835 = arith.subf %get3A_642, %add3A_834 : vector<16xf32>
      %mul3A_836 = arith.mulf %sub3A_835, %sub3A_835 : vector<16xf32>
      %mul3A_837 = arith.mulf %mul3A_836, %neg3A_230 : vector<16xf32>
      %mul3A_838 = arith.mulf %mul3A_836, %neg3A_233 : vector<16xf32>
      %add3A_839 = arith.addf %mul3A_837, %mul3A_838 : vector<16xf32>
      %exp3A_840 = math.exp %add3A_839 : vector<16xf32>
      %ge3A_841 = arith.constant 0 : i32
      %ge3A_842 = vector.broadcast %ge3A_841 : i32 to vector<16xi32>
      %ge3A_843 = arith.cmpi sge, %add3A_822, %ge3A_842 : vector<16xi32>
      %lt3A_844 = arith.constant 500 : i32
      %lt3A_845 = vector.broadcast %lt3A_844 : i32 to vector<16xi32>
      %lt3A_846 = arith.cmpi slt, %add3A_822, %lt3A_845 : vector<16xi32>
      %and3A_847 = arith.andi %ge3A_843, %lt3A_846 : vector<16xi1>
      %add3A_848 = arith.addi %min3A_828, %mul3A_243 : vector<16xi32>
      tpu.vector_store_idx %arg6[%add3A_848], %exp3A_840 masked %and3A_847 {add = true} : memref<8192xf32, #tpu.memory_space<vmem>>[vector<16xi32>], vector<16xf32>, vector<16xi1>
    }
    %scan3A_249 = arith.constant 256 : i32
    %scan3A_250 = arith.constant 0 : i32
    %scan3A_251 = arith.constant 0 : i32
    %scan3A_252 = arith.constant 32 : i32
    %scan3A_253 = arith.addi %scan3A_251, %scan3A_252 : i32
    %scan3A_254 = arith.constant 1 : i32
    scf.for %scan3A_428 = %scan3A_251 to %scan3A_253 step %scan3A_254  : i32 {
      %mul3A_429 = arith.constant 16 : i32
      %mul3A_430 = arith.muli %scan3A_428, %mul3A_429 : i32
      %get3A_431 = arith.index_cast %mul3A_430 : i32 to index
      %get3A_432 = tpu.vector_load %arg6[%get3A_431] {strides = array<i32>} : memref<8192xf32, #tpu.memory_space<vmem>>, vector<16xf32>,
      %mul3A_433 = arith.constant 16 : i32
      %mul3A_434 = arith.muli %scan3A_428, %mul3A_433 : i32
      %add3A_435 = arith.constant 512 : i32
      %add3A_436 = arith.addi %add3A_435, %mul3A_434 : i32
      %get3A_437 = arith.index_cast %add3A_436 : i32 to index
      %get3A_438 = tpu.vector_load %arg6[%get3A_437] {strides = array<i32>} : memref<8192xf32, #tpu.memory_space<vmem>>, vector<16xf32>,
      %add3A_439 = arith.addf %get3A_432, %get3A_438 : vector<16xf32>
      %mul3A_440 = arith.constant 16 : i32
      %mul3A_441 = arith.muli %scan3A_428, %mul3A_440 : i32
      %add3A_442 = arith.constant 1024 : i32
      %add3A_443 = arith.addi %add3A_442, %mul3A_441 : i32
      %get3A_444 = arith.index_cast %add3A_443 : i32 to index
      %get3A_445 = tpu.vector_load %arg6[%get3A_444] {strides = array<i32>} : memref<8192xf32, #tpu.memory_space<vmem>>, vector<16xf32>,
      %add3A_446 = arith.addf %add3A_439, %get3A_445 : vector<16xf32>
      %mul3A_447 = arith.constant 16 : i32
      %mul3A_448 = arith.muli %scan3A_428, %mul3A_447 : i32
      %add3A_449 = arith.constant 1536 : i32
      %add3A_450 = arith.addi %add3A_449, %mul3A_448 : i32
      %get3A_451 = arith.index_cast %add3A_450 : i32 to index
      %get3A_452 = tpu.vector_load %arg6[%get3A_451] {strides = array<i32>} : memref<8192xf32, #tpu.memory_space<vmem>>, vector<16xf32>,
      %add3A_453 = arith.addf %add3A_446, %get3A_452 : vector<16xf32>
      %mul3A_454 = arith.constant 16 : i32
      %mul3A_455 = arith.muli %scan3A_428, %mul3A_454 : i32
      %add3A_456 = arith.constant 2048 : i32
      %add3A_457 = arith.addi %add3A_456, %mul3A_455 : i32
      %get3A_458 = arith.index_cast %add3A_457 : i32 to index
      %get3A_459 = tpu.vector_load %arg6[%get3A_458] {strides = array<i32>} : memref<8192xf32, #tpu.memory_space<vmem>>, vector<16xf32>,
      %add3A_460 = arith.addf %add3A_453, %get3A_459 : vector<16xf32>
      %mul3A_461 = arith.constant 16 : i32
      %mul3A_462 = arith.muli %scan3A_428, %mul3A_461 : i32
      %add3A_463 = arith.constant 2560 : i32
      %add3A_464 = arith.addi %add3A_463, %mul3A_462 : i32
      %get3A_465 = arith.index_cast %add3A_464 : i32 to index
      %get3A_466 = tpu.vector_load %arg6[%get3A_465] {strides = array<i32>} : memref<8192xf32, #tpu.memory_space<vmem>>, vector<16xf32>,
      %add3A_467 = arith.addf %add3A_460, %get3A_466 : vector<16xf32>
      %mul3A_468 = arith.constant 16 : i32
      %mul3A_469 = arith.muli %scan3A_428, %mul3A_468 : i32
      %add3A_470 = arith.constant 3072 : i32
      %add3A_471 = arith.addi %add3A_470, %mul3A_469 : i32
      %get3A_472 = arith.index_cast %add3A_471 : i32 to index
      %get3A_473 = tpu.vector_load %arg6[%get3A_472] {strides = array<i32>} : memref<8192xf32, #tpu.memory_space<vmem>>, vector<16xf32>,
      %add3A_474 = arith.addf %add3A_467, %get3A_473 : vector<16xf32>
      %mul3A_475 = arith.constant 16 : i32
      %mul3A_476 = arith.muli %scan3A_428, %mul3A_475 : i32
      %add3A_477 = arith.constant 3584 : i32
      %add3A_478 = arith.addi %add3A_477, %mul3A_476 : i32
      %get3A_479 = arith.index_cast %add3A_478 : i32 to index
      %get3A_480 = tpu.vector_load %arg6[%get3A_479] {strides = array<i32>} : memref<8192xf32, #tpu.memory_space<vmem>>, vector<16xf32>,
      %add3A_481 = arith.addf %add3A_474, %get3A_480 : vector<16xf32>
      %mul3A_482 = arith.constant 16 : i32
      %mul3A_483 = arith.muli %scan3A_428, %mul3A_482 : i32
      %add3A_484 = arith.constant 4096 : i32
      %add3A_485 = arith.addi %add3A_484, %mul3A_483 : i32
      %get3A_486 = arith.index_cast %add3A_485 : i32 to index
      %get3A_487 = tpu.vector_load %arg6[%get3A_486] {strides = array<i32>} : memref<8192xf32, #tpu.memory_space<vmem>>, vector<16xf32>,
      %add3A_488 = arith.addf %add3A_481, %get3A_487 : vector<16xf32>
      %mul3A_489 = arith.constant 16 : i32
      %mul3A_490 = arith.muli %scan3A_428, %mul3A_489 : i32
      %add3A_491 = arith.constant 4608 : i32
      %add3A_492 = arith.addi %add3A_491, %mul3A_490 : i32
      %get3A_493 = arith.index_cast %add3A_492 : i32 to index
      %get3A_494 = tpu.vector_load %arg6[%get3A_493] {strides = array<i32>} : memref<8192xf32, #tpu.memory_space<vmem>>, vector<16xf32>,
      %add3A_495 = arith.addf %add3A_488, %get3A_494 : vector<16xf32>
      %mul3A_496 = arith.constant 16 : i32
      %mul3A_497 = arith.muli %scan3A_428, %mul3A_496 : i32
      %add3A_498 = arith.constant 5120 : i32
      %add3A_499 = arith.addi %add3A_498, %mul3A_497 : i32
      %get3A_500 = arith.index_cast %add3A_499 : i32 to index
      %get3A_501 = tpu.vector_load %arg6[%get3A_500] {strides = array<i32>} : memref<8192xf32, #tpu.memory_space<vmem>>, vector<16xf32>,
      %add3A_502 = arith.addf %add3A_495, %get3A_501 : vector<16xf32>
      %mul3A_503 = arith.constant 16 : i32
      %mul3A_504 = arith.muli %scan3A_428, %mul3A_503 : i32
      %add3A_505 = arith.constant 5632 : i32
      %add3A_506 = arith.addi %add3A_505, %mul3A_504 : i32
      %get3A_507 = arith.index_cast %add3A_506 : i32 to index
      %get3A_508 = tpu.vector_load %arg6[%get3A_507] {strides = array<i32>} : memref<8192xf32, #tpu.memory_space<vmem>>, vector<16xf32>,
      %add3A_509 = arith.addf %add3A_502, %get3A_508 : vector<16xf32>
      %mul3A_510 = arith.constant 16 : i32
      %mul3A_511 = arith.muli %scan3A_428, %mul3A_510 : i32
      %add3A_512 = arith.constant 6144 : i32
      %add3A_513 = arith.addi %add3A_512, %mul3A_511 : i32
      %get3A_514 = arith.index_cast %add3A_513 : i32 to index
      %get3A_515 = tpu.vector_load %arg6[%get3A_514] {strides = array<i32>} : memref<8192xf32, #tpu.memory_space<vmem>>, vector<16xf32>,
      %add3A_516 = arith.addf %add3A_509, %get3A_515 : vector<16xf32>
      %mul3A_517 = arith.constant 16 : i32
      %mul3A_518 = arith.muli %scan3A_428, %mul3A_517 : i32
      %add3A_519 = arith.constant 6656 : i32
      %add3A_520 = arith.addi %add3A_519, %mul3A_518 : i32
      %get3A_521 = arith.index_cast %add3A_520 : i32 to index
      %get3A_522 = tpu.vector_load %arg6[%get3A_521] {strides = array<i32>} : memref<8192xf32, #tpu.memory_space<vmem>>, vector<16xf32>,
      %add3A_523 = arith.addf %add3A_516, %get3A_522 : vector<16xf32>
      %mul3A_524 = arith.constant 16 : i32
      %mul3A_525 = arith.muli %scan3A_428, %mul3A_524 : i32
      %add3A_526 = arith.constant 7168 : i32
      %add3A_527 = arith.addi %add3A_526, %mul3A_525 : i32
      %get3A_528 = arith.index_cast %add3A_527 : i32 to index
      %get3A_529 = tpu.vector_load %arg6[%get3A_528] {strides = array<i32>} : memref<8192xf32, #tpu.memory_space<vmem>>, vector<16xf32>,
      %add3A_530 = arith.addf %add3A_523, %get3A_529 : vector<16xf32>
      %mul3A_531 = arith.constant 16 : i32
      %mul3A_532 = arith.muli %scan3A_428, %mul3A_531 : i32
      %add3A_533 = arith.constant 7680 : i32
      %add3A_534 = arith.addi %add3A_533, %mul3A_532 : i32
      %get3A_535 = arith.index_cast %add3A_534 : i32 to index
      %get3A_536 = tpu.vector_load %arg6[%get3A_535] {strides = array<i32>} : memref<8192xf32, #tpu.memory_space<vmem>>, vector<16xf32>,
      %add3A_537 = arith.addf %add3A_530, %get3A_536 : vector<16xf32>
      %mul3A_538 = arith.constant 16 : i32
      %mul3A_539 = arith.muli %scan3A_428, %mul3A_538 : i32
      %swap3A_540 = arith.index_cast %mul3A_539 : i32 to index
      %swap3A_541 = tpu.vector_load %arg7[%swap3A_540] {strides = array<i32>} : memref<512xf32, #tpu.memory_space<vmem>>, vector<16xf32>,
      tpu.vector_store %arg7[%swap3A_540], %add3A_537 {strides = array<i32>} : memref<512xf32, #tpu.memory_space<vmem>>, vector<16xf32>,
    }
    %scan3A_255 = arith.constant 32 : i32
    %mul3A_256 = arith.constant 512 : i32
    %mul3A_257 = arith.muli %arg1, %mul3A_256 : i32
    "tpu.region"() ({
      %run_scoped3A = tpu.sem_alloc : memref<!tpu.dma_semaphore, #tpu.memory_space<semaphore_mem>>
      %dma_start3A = tpu.memref_slice %arg13[%mul3A_257] : memref<8192xf32, #tpu.memory_space<vmem_shared>> -> memref<512xf32, #tpu.memory_space<vmem_shared>>
      %dma_start3A_428 = tpu.memref_slice %arg13[%mul3A_257] : memref<8192xf32, #tpu.memory_space<vmem_shared>> -> memref<512xf32, #tpu.memory_space<vmem_shared>>
      tpu.enqueue_dma source(%arg7 : memref<512xf32, #tpu.memory_space<vmem>>) target(%dma_start3A_428 : memref<512xf32, #tpu.memory_space<vmem_shared>>) target_semaphore(%run_scoped3A : memref<!tpu.dma_semaphore, #tpu.memory_space<semaphore_mem>>)
      %dma_wait3A = tpu.memref_slice %arg13[%mul3A_257] : memref<8192xf32, #tpu.memory_space<vmem_shared>> -> memref<512xf32, #tpu.memory_space<vmem_shared>>
      %dma_wait3A_429 = tpu.memref_slice %arg13[%mul3A_257] : memref<8192xf32, #tpu.memory_space<vmem_shared>> -> memref<512xf32, #tpu.memory_space<vmem_shared>>
      tpu.wait_dma2 semaphore(%run_scoped3A : memref<!tpu.dma_semaphore, #tpu.memory_space<semaphore_mem>>) src(%arg7 : memref<512xf32, #tpu.memory_space<vmem>>) dst(%dma_wait3A_429 : memref<512xf32, #tpu.memory_space<vmem_shared>>)
      tpu.yield
    }) : () -> ()
    %barrier3A_258 = arith.constant 0 : index
    tpu.barrier barrier_id(%barrier3A_258)
    %mul3A_259 = arith.constant 32 : i32
    %mul3A_260 = arith.muli %arg1, %mul3A_259 : i32
    %add3A_261 = arith.constant 0 : i32
    %add3A_262 = arith.addi %add3A_261, %mul3A_260 : i32
    "tpu.region"() ({
      %run_scoped3A = tpu.sem_alloc : memref<!tpu.dma_semaphore, #tpu.memory_space<semaphore_mem>>
      %dma_start3A = arith.constant 0 : i32
      %dma_start3A_428 = tpu.memref_slice %arg10[%dma_start3A] : memref<512xf32, #tpu.memory_space<vmem>> -> memref<32xf32, #tpu.memory_space<vmem>>
      %dma_start3A_429 = tpu.memref_slice %arg13[%add3A_262] : memref<8192xf32, #tpu.memory_space<vmem_shared>> -> memref<32xf32, #tpu.memory_space<vmem_shared>>
      %dma_start3A_430 = arith.constant 0 : i32
      %dma_start3A_431 = tpu.memref_slice %arg10[%dma_start3A_430] : memref<512xf32, #tpu.memory_space<vmem>> -> memref<32xf32, #tpu.memory_space<vmem>>
      %dma_start3A_432 = tpu.memref_slice %arg13[%add3A_262] : memref<8192xf32, #tpu.memory_space<vmem_shared>> -> memref<32xf32, #tpu.memory_space<vmem_shared>>
      tpu.enqueue_dma source(%dma_start3A_432 : memref<32xf32, #tpu.memory_space<vmem_shared>>) target(%dma_start3A_431 : memref<32xf32, #tpu.memory_space<vmem>>) target_semaphore(%run_scoped3A : memref<!tpu.dma_semaphore, #tpu.memory_space<semaphore_mem>>)
      %dma_wait3A = arith.constant 0 : i32
      %dma_wait3A_433 = tpu.memref_slice %arg10[%dma_wait3A] : memref<512xf32, #tpu.memory_space<vmem>> -> memref<32xf32, #tpu.memory_space<vmem>>
      %dma_wait3A_434 = tpu.memref_slice %arg13[%add3A_262] : memref<8192xf32, #tpu.memory_space<vmem_shared>> -> memref<32xf32, #tpu.memory_space<vmem_shared>>
      %dma_wait3A_435 = arith.constant 0 : i32
      %dma_wait3A_436 = tpu.memref_slice %arg10[%dma_wait3A_435] : memref<512xf32, #tpu.memory_space<vmem>> -> memref<32xf32, #tpu.memory_space<vmem>>
      %dma_wait3A_437 = tpu.memref_slice %arg13[%add3A_262] : memref<8192xf32, #tpu.memory_space<vmem_shared>> -> memref<32xf32, #tpu.memory_space<vmem_shared>>
      tpu.wait_dma2 semaphore(%run_scoped3A : memref<!tpu.dma_semaphore, #tpu.memory_space<semaphore_mem>>) src(%dma_wait3A_437 : memref<32xf32, #tpu.memory_space<vmem_shared>>) dst(%dma_wait3A_436 : memref<32xf32, #tpu.memory_space<vmem>>)
      tpu.yield
    }) : () -> ()
    %mul3A_263 = arith.constant 32 : i32
    %mul3A_264 = arith.muli %arg1, %mul3A_263 : i32
    %add3A_265 = arith.constant 512 : i32
    %add3A_266 = arith.addi %add3A_265, %mul3A_264 : i32
    "tpu.region"() ({
      %run_scoped3A = tpu.sem_alloc : memref<!tpu.dma_semaphore, #tpu.memory_space<semaphore_mem>>
      %dma_start3A = arith.constant 32 : i32
      %dma_start3A_428 = tpu.memref_slice %arg10[%dma_start3A] : memref<512xf32, #tpu.memory_space<vmem>> -> memref<32xf32, #tpu.memory_space<vmem>>
      %dma_start3A_429 = tpu.memref_slice %arg13[%add3A_266] : memref<8192xf32, #tpu.memory_space<vmem_shared>> -> memref<32xf32, #tpu.memory_space<vmem_shared>>
      %dma_start3A_430 = arith.constant 32 : i32
      %dma_start3A_431 = tpu.memref_slice %arg10[%dma_start3A_430] : memref<512xf32, #tpu.memory_space<vmem>> -> memref<32xf32, #tpu.memory_space<vmem>>
      %dma_start3A_432 = tpu.memref_slice %arg13[%add3A_266] : memref<8192xf32, #tpu.memory_space<vmem_shared>> -> memref<32xf32, #tpu.memory_space<vmem_shared>>
      tpu.enqueue_dma source(%dma_start3A_432 : memref<32xf32, #tpu.memory_space<vmem_shared>>) target(%dma_start3A_431 : memref<32xf32, #tpu.memory_space<vmem>>) target_semaphore(%run_scoped3A : memref<!tpu.dma_semaphore, #tpu.memory_space<semaphore_mem>>)
      %dma_wait3A = arith.constant 32 : i32
      %dma_wait3A_433 = tpu.memref_slice %arg10[%dma_wait3A] : memref<512xf32, #tpu.memory_space<vmem>> -> memref<32xf32, #tpu.memory_space<vmem>>
      %dma_wait3A_434 = tpu.memref_slice %arg13[%add3A_266] : memref<8192xf32, #tpu.memory_space<vmem_shared>> -> memref<32xf32, #tpu.memory_space<vmem_shared>>
      %dma_wait3A_435 = arith.constant 32 : i32
      %dma_wait3A_436 = tpu.memref_slice %arg10[%dma_wait3A_435] : memref<512xf32, #tpu.memory_space<vmem>> -> memref<32xf32, #tpu.memory_space<vmem>>
      %dma_wait3A_437 = tpu.memref_slice %arg13[%add3A_266] : memref<8192xf32, #tpu.memory_space<vmem_shared>> -> memref<32xf32, #tpu.memory_space<vmem_shared>>
      tpu.wait_dma2 semaphore(%run_scoped3A : memref<!tpu.dma_semaphore, #tpu.memory_space<semaphore_mem>>) src(%dma_wait3A_437 : memref<32xf32, #tpu.memory_space<vmem_shared>>) dst(%dma_wait3A_436 : memref<32xf32, #tpu.memory_space<vmem>>)
      tpu.yield
    }) : () -> ()
    %mul3A_267 = arith.constant 32 : i32
    %mul3A_268 = arith.muli %arg1, %mul3A_267 : i32
    %add3A_269 = arith.constant 1024 : i32
    %add3A_270 = arith.addi %add3A_269, %mul3A_268 : i32
    "tpu.region"() ({
      %run_scoped3A = tpu.sem_alloc : memref<!tpu.dma_semaphore, #tpu.memory_space<semaphore_mem>>
      %dma_start3A = arith.constant 64 : i32
      %dma_start3A_428 = tpu.memref_slice %arg10[%dma_start3A] : memref<512xf32, #tpu.memory_space<vmem>> -> memref<32xf32, #tpu.memory_space<vmem>>
      %dma_start3A_429 = tpu.memref_slice %arg13[%add3A_270] : memref<8192xf32, #tpu.memory_space<vmem_shared>> -> memref<32xf32, #tpu.memory_space<vmem_shared>>
      %dma_start3A_430 = arith.constant 64 : i32
      %dma_start3A_431 = tpu.memref_slice %arg10[%dma_start3A_430] : memref<512xf32, #tpu.memory_space<vmem>> -> memref<32xf32, #tpu.memory_space<vmem>>
      %dma_start3A_432 = tpu.memref_slice %arg13[%add3A_270] : memref<8192xf32, #tpu.memory_space<vmem_shared>> -> memref<32xf32, #tpu.memory_space<vmem_shared>>
      tpu.enqueue_dma source(%dma_start3A_432 : memref<32xf32, #tpu.memory_space<vmem_shared>>) target(%dma_start3A_431 : memref<32xf32, #tpu.memory_space<vmem>>) target_semaphore(%run_scoped3A : memref<!tpu.dma_semaphore, #tpu.memory_space<semaphore_mem>>)
      %dma_wait3A = arith.constant 64 : i32
      %dma_wait3A_433 = tpu.memref_slice %arg10[%dma_wait3A] : memref<512xf32, #tpu.memory_space<vmem>> -> memref<32xf32, #tpu.memory_space<vmem>>
      %dma_wait3A_434 = tpu.memref_slice %arg13[%add3A_270] : memref<8192xf32, #tpu.memory_space<vmem_shared>> -> memref<32xf32, #tpu.memory_space<vmem_shared>>
      %dma_wait3A_435 = arith.constant 64 : i32
      %dma_wait3A_436 = tpu.memref_slice %arg10[%dma_wait3A_435] : memref<512xf32, #tpu.memory_space<vmem>> -> memref<32xf32, #tpu.memory_space<vmem>>
      %dma_wait3A_437 = tpu.memref_slice %arg13[%add3A_270] : memref<8192xf32, #tpu.memory_space<vmem_shared>> -> memref<32xf32, #tpu.memory_space<vmem_shared>>
      tpu.wait_dma2 semaphore(%run_scoped3A : memref<!tpu.dma_semaphore, #tpu.memory_space<semaphore_mem>>) src(%dma_wait3A_437 : memref<32xf32, #tpu.memory_space<vmem_shared>>) dst(%dma_wait3A_436 : memref<32xf32, #tpu.memory_space<vmem>>)
      tpu.yield
    }) : () -> ()
    %mul3A_271 = arith.constant 32 : i32
    %mul3A_272 = arith.muli %arg1, %mul3A_271 : i32
    %add3A_273 = arith.constant 1536 : i32
    %add3A_274 = arith.addi %add3A_273, %mul3A_272 : i32
    "tpu.region"() ({
      %run_scoped3A = tpu.sem_alloc : memref<!tpu.dma_semaphore, #tpu.memory_space<semaphore_mem>>
      %dma_start3A = arith.constant 96 : i32
      %dma_start3A_428 = tpu.memref_slice %arg10[%dma_start3A] : memref<512xf32, #tpu.memory_space<vmem>> -> memref<32xf32, #tpu.memory_space<vmem>>
      %dma_start3A_429 = tpu.memref_slice %arg13[%add3A_274] : memref<8192xf32, #tpu.memory_space<vmem_shared>> -> memref<32xf32, #tpu.memory_space<vmem_shared>>
      %dma_start3A_430 = arith.constant 96 : i32
      %dma_start3A_431 = tpu.memref_slice %arg10[%dma_start3A_430] : memref<512xf32, #tpu.memory_space<vmem>> -> memref<32xf32, #tpu.memory_space<vmem>>
      %dma_start3A_432 = tpu.memref_slice %arg13[%add3A_274] : memref<8192xf32, #tpu.memory_space<vmem_shared>> -> memref<32xf32, #tpu.memory_space<vmem_shared>>
      tpu.enqueue_dma source(%dma_start3A_432 : memref<32xf32, #tpu.memory_space<vmem_shared>>) target(%dma_start3A_431 : memref<32xf32, #tpu.memory_space<vmem>>) target_semaphore(%run_scoped3A : memref<!tpu.dma_semaphore, #tpu.memory_space<semaphore_mem>>)
      %dma_wait3A = arith.constant 96 : i32
      %dma_wait3A_433 = tpu.memref_slice %arg10[%dma_wait3A] : memref<512xf32, #tpu.memory_space<vmem>> -> memref<32xf32, #tpu.memory_space<vmem>>
      %dma_wait3A_434 = tpu.memref_slice %arg13[%add3A_274] : memref<8192xf32, #tpu.memory_space<vmem_shared>> -> memref<32xf32, #tpu.memory_space<vmem_shared>>
      %dma_wait3A_435 = arith.constant 96 : i32
      %dma_wait3A_436 = tpu.memref_slice %arg10[%dma_wait3A_435] : memref<512xf32, #tpu.memory_space<vmem>> -> memref<32xf32, #tpu.memory_space<vmem>>
      %dma_wait3A_437 = tpu.memref_slice %arg13[%add3A_274] : memref<8192xf32, #tpu.memory_space<vmem_shared>> -> memref<32xf32, #tpu.memory_space<vmem_shared>>
      tpu.wait_dma2 semaphore(%run_scoped3A : memref<!tpu.dma_semaphore, #tpu.memory_space<semaphore_mem>>) src(%dma_wait3A_437 : memref<32xf32, #tpu.memory_space<vmem_shared>>) dst(%dma_wait3A_436 : memref<32xf32, #tpu.memory_space<vmem>>)
      tpu.yield
    }) : () -> ()
    %mul3A_275 = arith.constant 32 : i32
    %mul3A_276 = arith.muli %arg1, %mul3A_275 : i32
    %add3A_277 = arith.constant 2048 : i32
    %add3A_278 = arith.addi %add3A_277, %mul3A_276 : i32
    "tpu.region"() ({
      %run_scoped3A = tpu.sem_alloc : memref<!tpu.dma_semaphore, #tpu.memory_space<semaphore_mem>>
      %dma_start3A = arith.constant 128 : i32
      %dma_start3A_428 = tpu.memref_slice %arg10[%dma_start3A] : memref<512xf32, #tpu.memory_space<vmem>> -> memref<32xf32, #tpu.memory_space<vmem>>
      %dma_start3A_429 = tpu.memref_slice %arg13[%add3A_278] : memref<8192xf32, #tpu.memory_space<vmem_shared>> -> memref<32xf32, #tpu.memory_space<vmem_shared>>
      %dma_start3A_430 = arith.constant 128 : i32
      %dma_start3A_431 = tpu.memref_slice %arg10[%dma_start3A_430] : memref<512xf32, #tpu.memory_space<vmem>> -> memref<32xf32, #tpu.memory_space<vmem>>
      %dma_start3A_432 = tpu.memref_slice %arg13[%add3A_278] : memref<8192xf32, #tpu.memory_space<vmem_shared>> -> memref<32xf32, #tpu.memory_space<vmem_shared>>
      tpu.enqueue_dma source(%dma_start3A_432 : memref<32xf32, #tpu.memory_space<vmem_shared>>) target(%dma_start3A_431 : memref<32xf32, #tpu.memory_space<vmem>>) target_semaphore(%run_scoped3A : memref<!tpu.dma_semaphore, #tpu.memory_space<semaphore_mem>>)
      %dma_wait3A = arith.constant 128 : i32
      %dma_wait3A_433 = tpu.memref_slice %arg10[%dma_wait3A] : memref<512xf32, #tpu.memory_space<vmem>> -> memref<32xf32, #tpu.memory_space<vmem>>
      %dma_wait3A_434 = tpu.memref_slice %arg13[%add3A_278] : memref<8192xf32, #tpu.memory_space<vmem_shared>> -> memref<32xf32, #tpu.memory_space<vmem_shared>>
      %dma_wait3A_435 = arith.constant 128 : i32
      %dma_wait3A_436 = tpu.memref_slice %arg10[%dma_wait3A_435] : memref<512xf32, #tpu.memory_space<vmem>> -> memref<32xf32, #tpu.memory_space<vmem>>
      %dma_wait3A_437 = tpu.memref_slice %arg13[%add3A_278] : memref<8192xf32, #tpu.memory_space<vmem_shared>> -> memref<32xf32, #tpu.memory_space<vmem_shared>>
      tpu.wait_dma2 semaphore(%run_scoped3A : memref<!tpu.dma_semaphore, #tpu.memory_space<semaphore_mem>>) src(%dma_wait3A_437 : memref<32xf32, #tpu.memory_space<vmem_shared>>) dst(%dma_wait3A_436 : memref<32xf32, #tpu.memory_space<vmem>>)
      tpu.yield
    }) : () -> ()
    %mul3A_279 = arith.constant 32 : i32
    %mul3A_280 = arith.muli %arg1, %mul3A_279 : i32
    %add3A_281 = arith.constant 2560 : i32
    %add3A_282 = arith.addi %add3A_281, %mul3A_280 : i32
    "tpu.region"() ({
      %run_scoped3A = tpu.sem_alloc : memref<!tpu.dma_semaphore, #tpu.memory_space<semaphore_mem>>
      %dma_start3A = arith.constant 160 : i32
      %dma_start3A_428 = tpu.memref_slice %arg10[%dma_start3A] : memref<512xf32, #tpu.memory_space<vmem>> -> memref<32xf32, #tpu.memory_space<vmem>>
      %dma_start3A_429 = tpu.memref_slice %arg13[%add3A_282] : memref<8192xf32, #tpu.memory_space<vmem_shared>> -> memref<32xf32, #tpu.memory_space<vmem_shared>>
      %dma_start3A_430 = arith.constant 160 : i32
      %dma_start3A_431 = tpu.memref_slice %arg10[%dma_start3A_430] : memref<512xf32, #tpu.memory_space<vmem>> -> memref<32xf32, #tpu.memory_space<vmem>>
      %dma_start3A_432 = tpu.memref_slice %arg13[%add3A_282] : memref<8192xf32, #tpu.memory_space<vmem_shared>> -> memref<32xf32, #tpu.memory_space<vmem_shared>>
      tpu.enqueue_dma source(%dma_start3A_432 : memref<32xf32, #tpu.memory_space<vmem_shared>>) target(%dma_start3A_431 : memref<32xf32, #tpu.memory_space<vmem>>) target_semaphore(%run_scoped3A : memref<!tpu.dma_semaphore, #tpu.memory_space<semaphore_mem>>)
      %dma_wait3A = arith.constant 160 : i32
      %dma_wait3A_433 = tpu.memref_slice %arg10[%dma_wait3A] : memref<512xf32, #tpu.memory_space<vmem>> -> memref<32xf32, #tpu.memory_space<vmem>>
      %dma_wait3A_434 = tpu.memref_slice %arg13[%add3A_282] : memref<8192xf32, #tpu.memory_space<vmem_shared>> -> memref<32xf32, #tpu.memory_space<vmem_shared>>
      %dma_wait3A_435 = arith.constant 160 : i32
      %dma_wait3A_436 = tpu.memref_slice %arg10[%dma_wait3A_435] : memref<512xf32, #tpu.memory_space<vmem>> -> memref<32xf32, #tpu.memory_space<vmem>>
      %dma_wait3A_437 = tpu.memref_slice %arg13[%add3A_282] : memref<8192xf32, #tpu.memory_space<vmem_shared>> -> memref<32xf32, #tpu.memory_space<vmem_shared>>
      tpu.wait_dma2 semaphore(%run_scoped3A : memref<!tpu.dma_semaphore, #tpu.memory_space<semaphore_mem>>) src(%dma_wait3A_437 : memref<32xf32, #tpu.memory_space<vmem_shared>>) dst(%dma_wait3A_436 : memref<32xf32, #tpu.memory_space<vmem>>)
      tpu.yield
    }) : () -> ()
    %mul3A_283 = arith.constant 32 : i32
    %mul3A_284 = arith.muli %arg1, %mul3A_283 : i32
    %add3A_285 = arith.constant 3072 : i32
    %add3A_286 = arith.addi %add3A_285, %mul3A_284 : i32
    "tpu.region"() ({
      %run_scoped3A = tpu.sem_alloc : memref<!tpu.dma_semaphore, #tpu.memory_space<semaphore_mem>>
      %dma_start3A = arith.constant 192 : i32
      %dma_start3A_428 = tpu.memref_slice %arg10[%dma_start3A] : memref<512xf32, #tpu.memory_space<vmem>> -> memref<32xf32, #tpu.memory_space<vmem>>
      %dma_start3A_429 = tpu.memref_slice %arg13[%add3A_286] : memref<8192xf32, #tpu.memory_space<vmem_shared>> -> memref<32xf32, #tpu.memory_space<vmem_shared>>
      %dma_start3A_430 = arith.constant 192 : i32
      %dma_start3A_431 = tpu.memref_slice %arg10[%dma_start3A_430] : memref<512xf32, #tpu.memory_space<vmem>> -> memref<32xf32, #tpu.memory_space<vmem>>
      %dma_start3A_432 = tpu.memref_slice %arg13[%add3A_286] : memref<8192xf32, #tpu.memory_space<vmem_shared>> -> memref<32xf32, #tpu.memory_space<vmem_shared>>
      tpu.enqueue_dma source(%dma_start3A_432 : memref<32xf32, #tpu.memory_space<vmem_shared>>) target(%dma_start3A_431 : memref<32xf32, #tpu.memory_space<vmem>>) target_semaphore(%run_scoped3A : memref<!tpu.dma_semaphore, #tpu.memory_space<semaphore_mem>>)
      %dma_wait3A = arith.constant 192 : i32
      %dma_wait3A_433 = tpu.memref_slice %arg10[%dma_wait3A] : memref<512xf32, #tpu.memory_space<vmem>> -> memref<32xf32, #tpu.memory_space<vmem>>
      %dma_wait3A_434 = tpu.memref_slice %arg13[%add3A_286] : memref<8192xf32, #tpu.memory_space<vmem_shared>> -> memref<32xf32, #tpu.memory_space<vmem_shared>>
      %dma_wait3A_435 = arith.constant 192 : i32
      %dma_wait3A_436 = tpu.memref_slice %arg10[%dma_wait3A_435] : memref<512xf32, #tpu.memory_space<vmem>> -> memref<32xf32, #tpu.memory_space<vmem>>
      %dma_wait3A_437 = tpu.memref_slice %arg13[%add3A_286] : memref<8192xf32, #tpu.memory_space<vmem_shared>> -> memref<32xf32, #tpu.memory_space<vmem_shared>>
      tpu.wait_dma2 semaphore(%run_scoped3A : memref<!tpu.dma_semaphore, #tpu.memory_space<semaphore_mem>>) src(%dma_wait3A_437 : memref<32xf32, #tpu.memory_space<vmem_shared>>) dst(%dma_wait3A_436 : memref<32xf32, #tpu.memory_space<vmem>>)
      tpu.yield
    }) : () -> ()
    %mul3A_287 = arith.constant 32 : i32
    %mul3A_288 = arith.muli %arg1, %mul3A_287 : i32
    %add3A_289 = arith.constant 3584 : i32
    %add3A_290 = arith.addi %add3A_289, %mul3A_288 : i32
    "tpu.region"() ({
      %run_scoped3A = tpu.sem_alloc : memref<!tpu.dma_semaphore, #tpu.memory_space<semaphore_mem>>
      %dma_start3A = arith.constant 224 : i32
      %dma_start3A_428 = tpu.memref_slice %arg10[%dma_start3A] : memref<512xf32, #tpu.memory_space<vmem>> -> memref<32xf32, #tpu.memory_space<vmem>>
      %dma_start3A_429 = tpu.memref_slice %arg13[%add3A_290] : memref<8192xf32, #tpu.memory_space<vmem_shared>> -> memref<32xf32, #tpu.memory_space<vmem_shared>>
      %dma_start3A_430 = arith.constant 224 : i32
      %dma_start3A_431 = tpu.memref_slice %arg10[%dma_start3A_430] : memref<512xf32, #tpu.memory_space<vmem>> -> memref<32xf32, #tpu.memory_space<vmem>>
      %dma_start3A_432 = tpu.memref_slice %arg13[%add3A_290] : memref<8192xf32, #tpu.memory_space<vmem_shared>> -> memref<32xf32, #tpu.memory_space<vmem_shared>>
      tpu.enqueue_dma source(%dma_start3A_432 : memref<32xf32, #tpu.memory_space<vmem_shared>>) target(%dma_start3A_431 : memref<32xf32, #tpu.memory_space<vmem>>) target_semaphore(%run_scoped3A : memref<!tpu.dma_semaphore, #tpu.memory_space<semaphore_mem>>)
      %dma_wait3A = arith.constant 224 : i32
      %dma_wait3A_433 = tpu.memref_slice %arg10[%dma_wait3A] : memref<512xf32, #tpu.memory_space<vmem>> -> memref<32xf32, #tpu.memory_space<vmem>>
      %dma_wait3A_434 = tpu.memref_slice %arg13[%add3A_290] : memref<8192xf32, #tpu.memory_space<vmem_shared>> -> memref<32xf32, #tpu.memory_space<vmem_shared>>
      %dma_wait3A_435 = arith.constant 224 : i32
      %dma_wait3A_436 = tpu.memref_slice %arg10[%dma_wait3A_435] : memref<512xf32, #tpu.memory_space<vmem>> -> memref<32xf32, #tpu.memory_space<vmem>>
      %dma_wait3A_437 = tpu.memref_slice %arg13[%add3A_290] : memref<8192xf32, #tpu.memory_space<vmem_shared>> -> memref<32xf32, #tpu.memory_space<vmem_shared>>
      tpu.wait_dma2 semaphore(%run_scoped3A : memref<!tpu.dma_semaphore, #tpu.memory_space<semaphore_mem>>) src(%dma_wait3A_437 : memref<32xf32, #tpu.memory_space<vmem_shared>>) dst(%dma_wait3A_436 : memref<32xf32, #tpu.memory_space<vmem>>)
      tpu.yield
    }) : () -> ()
    %mul3A_291 = arith.constant 32 : i32
    %mul3A_292 = arith.muli %arg1, %mul3A_291 : i32
    %add3A_293 = arith.constant 4096 : i32
    %add3A_294 = arith.addi %add3A_293, %mul3A_292 : i32
    "tpu.region"() ({
      %run_scoped3A = tpu.sem_alloc : memref<!tpu.dma_semaphore, #tpu.memory_space<semaphore_mem>>
      %dma_start3A = arith.constant 256 : i32
      %dma_start3A_428 = tpu.memref_slice %arg10[%dma_start3A] : memref<512xf32, #tpu.memory_space<vmem>> -> memref<32xf32, #tpu.memory_space<vmem>>
      %dma_start3A_429 = tpu.memref_slice %arg13[%add3A_294] : memref<8192xf32, #tpu.memory_space<vmem_shared>> -> memref<32xf32, #tpu.memory_space<vmem_shared>>
      %dma_start3A_430 = arith.constant 256 : i32
      %dma_start3A_431 = tpu.memref_slice %arg10[%dma_start3A_430] : memref<512xf32, #tpu.memory_space<vmem>> -> memref<32xf32, #tpu.memory_space<vmem>>
      %dma_start3A_432 = tpu.memref_slice %arg13[%add3A_294] : memref<8192xf32, #tpu.memory_space<vmem_shared>> -> memref<32xf32, #tpu.memory_space<vmem_shared>>
      tpu.enqueue_dma source(%dma_start3A_432 : memref<32xf32, #tpu.memory_space<vmem_shared>>) target(%dma_start3A_431 : memref<32xf32, #tpu.memory_space<vmem>>) target_semaphore(%run_scoped3A : memref<!tpu.dma_semaphore, #tpu.memory_space<semaphore_mem>>)
      %dma_wait3A = arith.constant 256 : i32
      %dma_wait3A_433 = tpu.memref_slice %arg10[%dma_wait3A] : memref<512xf32, #tpu.memory_space<vmem>> -> memref<32xf32, #tpu.memory_space<vmem>>
      %dma_wait3A_434 = tpu.memref_slice %arg13[%add3A_294] : memref<8192xf32, #tpu.memory_space<vmem_shared>> -> memref<32xf32, #tpu.memory_space<vmem_shared>>
      %dma_wait3A_435 = arith.constant 256 : i32
      %dma_wait3A_436 = tpu.memref_slice %arg10[%dma_wait3A_435] : memref<512xf32, #tpu.memory_space<vmem>> -> memref<32xf32, #tpu.memory_space<vmem>>
      %dma_wait3A_437 = tpu.memref_slice %arg13[%add3A_294] : memref<8192xf32, #tpu.memory_space<vmem_shared>> -> memref<32xf32, #tpu.memory_space<vmem_shared>>
      tpu.wait_dma2 semaphore(%run_scoped3A : memref<!tpu.dma_semaphore, #tpu.memory_space<semaphore_mem>>) src(%dma_wait3A_437 : memref<32xf32, #tpu.memory_space<vmem_shared>>) dst(%dma_wait3A_436 : memref<32xf32, #tpu.memory_space<vmem>>)
      tpu.yield
    }) : () -> ()
    %mul3A_295 = arith.constant 32 : i32
    %mul3A_296 = arith.muli %arg1, %mul3A_295 : i32
    %add3A_297 = arith.constant 4608 : i32
    %add3A_298 = arith.addi %add3A_297, %mul3A_296 : i32
    "tpu.region"() ({
      %run_scoped3A = tpu.sem_alloc : memref<!tpu.dma_semaphore, #tpu.memory_space<semaphore_mem>>
      %dma_start3A = arith.constant 288 : i32
      %dma_start3A_428 = tpu.memref_slice %arg10[%dma_start3A] : memref<512xf32, #tpu.memory_space<vmem>> -> memref<32xf32, #tpu.memory_space<vmem>>
      %dma_start3A_429 = tpu.memref_slice %arg13[%add3A_298] : memref<8192xf32, #tpu.memory_space<vmem_shared>> -> memref<32xf32, #tpu.memory_space<vmem_shared>>
      %dma_start3A_430 = arith.constant 288 : i32
      %dma_start3A_431 = tpu.memref_slice %arg10[%dma_start3A_430] : memref<512xf32, #tpu.memory_space<vmem>> -> memref<32xf32, #tpu.memory_space<vmem>>
      %dma_start3A_432 = tpu.memref_slice %arg13[%add3A_298] : memref<8192xf32, #tpu.memory_space<vmem_shared>> -> memref<32xf32, #tpu.memory_space<vmem_shared>>
      tpu.enqueue_dma source(%dma_start3A_432 : memref<32xf32, #tpu.memory_space<vmem_shared>>) target(%dma_start3A_431 : memref<32xf32, #tpu.memory_space<vmem>>) target_semaphore(%run_scoped3A : memref<!tpu.dma_semaphore, #tpu.memory_space<semaphore_mem>>)
      %dma_wait3A = arith.constant 288 : i32
      %dma_wait3A_433 = tpu.memref_slice %arg10[%dma_wait3A] : memref<512xf32, #tpu.memory_space<vmem>> -> memref<32xf32, #tpu.memory_space<vmem>>
      %dma_wait3A_434 = tpu.memref_slice %arg13[%add3A_298] : memref<8192xf32, #tpu.memory_space<vmem_shared>> -> memref<32xf32, #tpu.memory_space<vmem_shared>>
      %dma_wait3A_435 = arith.constant 288 : i32
      %dma_wait3A_436 = tpu.memref_slice %arg10[%dma_wait3A_435] : memref<512xf32, #tpu.memory_space<vmem>> -> memref<32xf32, #tpu.memory_space<vmem>>
      %dma_wait3A_437 = tpu.memref_slice %arg13[%add3A_298] : memref<8192xf32, #tpu.memory_space<vmem_shared>> -> memref<32xf32, #tpu.memory_space<vmem_shared>>
      tpu.wait_dma2 semaphore(%run_scoped3A : memref<!tpu.dma_semaphore, #tpu.memory_space<semaphore_mem>>) src(%dma_wait3A_437 : memref<32xf32, #tpu.memory_space<vmem_shared>>) dst(%dma_wait3A_436 : memref<32xf32, #tpu.memory_space<vmem>>)
      tpu.yield
    }) : () -> ()
    %mul3A_299 = arith.constant 32 : i32
    %mul3A_300 = arith.muli %arg1, %mul3A_299 : i32
    %add3A_301 = arith.constant 5120 : i32
    %add3A_302 = arith.addi %add3A_301, %mul3A_300 : i32
    "tpu.region"() ({
      %run_scoped3A = tpu.sem_alloc : memref<!tpu.dma_semaphore, #tpu.memory_space<semaphore_mem>>
      %dma_start3A = arith.constant 320 : i32
      %dma_start3A_428 = tpu.memref_slice %arg10[%dma_start3A] : memref<512xf32, #tpu.memory_space<vmem>> -> memref<32xf32, #tpu.memory_space<vmem>>
      %dma_start3A_429 = tpu.memref_slice %arg13[%add3A_302] : memref<8192xf32, #tpu.memory_space<vmem_shared>> -> memref<32xf32, #tpu.memory_space<vmem_shared>>
      %dma_start3A_430 = arith.constant 320 : i32
      %dma_start3A_431 = tpu.memref_slice %arg10[%dma_start3A_430] : memref<512xf32, #tpu.memory_space<vmem>> -> memref<32xf32, #tpu.memory_space<vmem>>
      %dma_start3A_432 = tpu.memref_slice %arg13[%add3A_302] : memref<8192xf32, #tpu.memory_space<vmem_shared>> -> memref<32xf32, #tpu.memory_space<vmem_shared>>
      tpu.enqueue_dma source(%dma_start3A_432 : memref<32xf32, #tpu.memory_space<vmem_shared>>) target(%dma_start3A_431 : memref<32xf32, #tpu.memory_space<vmem>>) target_semaphore(%run_scoped3A : memref<!tpu.dma_semaphore, #tpu.memory_space<semaphore_mem>>)
      %dma_wait3A = arith.constant 320 : i32
      %dma_wait3A_433 = tpu.memref_slice %arg10[%dma_wait3A] : memref<512xf32, #tpu.memory_space<vmem>> -> memref<32xf32, #tpu.memory_space<vmem>>
      %dma_wait3A_434 = tpu.memref_slice %arg13[%add3A_302] : memref<8192xf32, #tpu.memory_space<vmem_shared>> -> memref<32xf32, #tpu.memory_space<vmem_shared>>
      %dma_wait3A_435 = arith.constant 320 : i32
      %dma_wait3A_436 = tpu.memref_slice %arg10[%dma_wait3A_435] : memref<512xf32, #tpu.memory_space<vmem>> -> memref<32xf32, #tpu.memory_space<vmem>>
      %dma_wait3A_437 = tpu.memref_slice %arg13[%add3A_302] : memref<8192xf32, #tpu.memory_space<vmem_shared>> -> memref<32xf32, #tpu.memory_space<vmem_shared>>
      tpu.wait_dma2 semaphore(%run_scoped3A : memref<!tpu.dma_semaphore, #tpu.memory_space<semaphore_mem>>) src(%dma_wait3A_437 : memref<32xf32, #tpu.memory_space<vmem_shared>>) dst(%dma_wait3A_436 : memref<32xf32, #tpu.memory_space<vmem>>)
      tpu.yield
    }) : () -> ()
    %mul3A_303 = arith.constant 32 : i32
    %mul3A_304 = arith.muli %arg1, %mul3A_303 : i32
    %add3A_305 = arith.constant 5632 : i32
    %add3A_306 = arith.addi %add3A_305, %mul3A_304 : i32
    "tpu.region"() ({
      %run_scoped3A = tpu.sem_alloc : memref<!tpu.dma_semaphore, #tpu.memory_space<semaphore_mem>>
      %dma_start3A = arith.constant 352 : i32
      %dma_start3A_428 = tpu.memref_slice %arg10[%dma_start3A] : memref<512xf32, #tpu.memory_space<vmem>> -> memref<32xf32, #tpu.memory_space<vmem>>
      %dma_start3A_429 = tpu.memref_slice %arg13[%add3A_306] : memref<8192xf32, #tpu.memory_space<vmem_shared>> -> memref<32xf32, #tpu.memory_space<vmem_shared>>
      %dma_start3A_430 = arith.constant 352 : i32
      %dma_start3A_431 = tpu.memref_slice %arg10[%dma_start3A_430] : memref<512xf32, #tpu.memory_space<vmem>> -> memref<32xf32, #tpu.memory_space<vmem>>
      %dma_start3A_432 = tpu.memref_slice %arg13[%add3A_306] : memref<8192xf32, #tpu.memory_space<vmem_shared>> -> memref<32xf32, #tpu.memory_space<vmem_shared>>
      tpu.enqueue_dma source(%dma_start3A_432 : memref<32xf32, #tpu.memory_space<vmem_shared>>) target(%dma_start3A_431 : memref<32xf32, #tpu.memory_space<vmem>>) target_semaphore(%run_scoped3A : memref<!tpu.dma_semaphore, #tpu.memory_space<semaphore_mem>>)
      %dma_wait3A = arith.constant 352 : i32
      %dma_wait3A_433 = tpu.memref_slice %arg10[%dma_wait3A] : memref<512xf32, #tpu.memory_space<vmem>> -> memref<32xf32, #tpu.memory_space<vmem>>
      %dma_wait3A_434 = tpu.memref_slice %arg13[%add3A_306] : memref<8192xf32, #tpu.memory_space<vmem_shared>> -> memref<32xf32, #tpu.memory_space<vmem_shared>>
      %dma_wait3A_435 = arith.constant 352 : i32
      %dma_wait3A_436 = tpu.memref_slice %arg10[%dma_wait3A_435] : memref<512xf32, #tpu.memory_space<vmem>> -> memref<32xf32, #tpu.memory_space<vmem>>
      %dma_wait3A_437 = tpu.memref_slice %arg13[%add3A_306] : memref<8192xf32, #tpu.memory_space<vmem_shared>> -> memref<32xf32, #tpu.memory_space<vmem_shared>>
      tpu.wait_dma2 semaphore(%run_scoped3A : memref<!tpu.dma_semaphore, #tpu.memory_space<semaphore_mem>>) src(%dma_wait3A_437 : memref<32xf32, #tpu.memory_space<vmem_shared>>) dst(%dma_wait3A_436 : memref<32xf32, #tpu.memory_space<vmem>>)
      tpu.yield
    }) : () -> ()
    %mul3A_307 = arith.constant 32 : i32
    %mul3A_308 = arith.muli %arg1, %mul3A_307 : i32
    %add3A_309 = arith.constant 6144 : i32
    %add3A_310 = arith.addi %add3A_309, %mul3A_308 : i32
    "tpu.region"() ({
      %run_scoped3A = tpu.sem_alloc : memref<!tpu.dma_semaphore, #tpu.memory_space<semaphore_mem>>
      %dma_start3A = arith.constant 384 : i32
      %dma_start3A_428 = tpu.memref_slice %arg10[%dma_start3A] : memref<512xf32, #tpu.memory_space<vmem>> -> memref<32xf32, #tpu.memory_space<vmem>>
      %dma_start3A_429 = tpu.memref_slice %arg13[%add3A_310] : memref<8192xf32, #tpu.memory_space<vmem_shared>> -> memref<32xf32, #tpu.memory_space<vmem_shared>>
      %dma_start3A_430 = arith.constant 384 : i32
      %dma_start3A_431 = tpu.memref_slice %arg10[%dma_start3A_430] : memref<512xf32, #tpu.memory_space<vmem>> -> memref<32xf32, #tpu.memory_space<vmem>>
      %dma_start3A_432 = tpu.memref_slice %arg13[%add3A_310] : memref<8192xf32, #tpu.memory_space<vmem_shared>> -> memref<32xf32, #tpu.memory_space<vmem_shared>>
      tpu.enqueue_dma source(%dma_start3A_432 : memref<32xf32, #tpu.memory_space<vmem_shared>>) target(%dma_start3A_431 : memref<32xf32, #tpu.memory_space<vmem>>) target_semaphore(%run_scoped3A : memref<!tpu.dma_semaphore, #tpu.memory_space<semaphore_mem>>)
      %dma_wait3A = arith.constant 384 : i32
      %dma_wait3A_433 = tpu.memref_slice %arg10[%dma_wait3A] : memref<512xf32, #tpu.memory_space<vmem>> -> memref<32xf32, #tpu.memory_space<vmem>>
      %dma_wait3A_434 = tpu.memref_slice %arg13[%add3A_310] : memref<8192xf32, #tpu.memory_space<vmem_shared>> -> memref<32xf32, #tpu.memory_space<vmem_shared>>
      %dma_wait3A_435 = arith.constant 384 : i32
      %dma_wait3A_436 = tpu.memref_slice %arg10[%dma_wait3A_435] : memref<512xf32, #tpu.memory_space<vmem>> -> memref<32xf32, #tpu.memory_space<vmem>>
      %dma_wait3A_437 = tpu.memref_slice %arg13[%add3A_310] : memref<8192xf32, #tpu.memory_space<vmem_shared>> -> memref<32xf32, #tpu.memory_space<vmem_shared>>
      tpu.wait_dma2 semaphore(%run_scoped3A : memref<!tpu.dma_semaphore, #tpu.memory_space<semaphore_mem>>) src(%dma_wait3A_437 : memref<32xf32, #tpu.memory_space<vmem_shared>>) dst(%dma_wait3A_436 : memref<32xf32, #tpu.memory_space<vmem>>)
      tpu.yield
    }) : () -> ()
    %mul3A_311 = arith.constant 32 : i32
    %mul3A_312 = arith.muli %arg1, %mul3A_311 : i32
    %add3A_313 = arith.constant 6656 : i32
    %add3A_314 = arith.addi %add3A_313, %mul3A_312 : i32
    "tpu.region"() ({
      %run_scoped3A = tpu.sem_alloc : memref<!tpu.dma_semaphore, #tpu.memory_space<semaphore_mem>>
      %dma_start3A = arith.constant 416 : i32
      %dma_start3A_428 = tpu.memref_slice %arg10[%dma_start3A] : memref<512xf32, #tpu.memory_space<vmem>> -> memref<32xf32, #tpu.memory_space<vmem>>
      %dma_start3A_429 = tpu.memref_slice %arg13[%add3A_314] : memref<8192xf32, #tpu.memory_space<vmem_shared>> -> memref<32xf32, #tpu.memory_space<vmem_shared>>
      %dma_start3A_430 = arith.constant 416 : i32
      %dma_start3A_431 = tpu.memref_slice %arg10[%dma_start3A_430] : memref<512xf32, #tpu.memory_space<vmem>> -> memref<32xf32, #tpu.memory_space<vmem>>
      %dma_start3A_432 = tpu.memref_slice %arg13[%add3A_314] : memref<8192xf32, #tpu.memory_space<vmem_shared>> -> memref<32xf32, #tpu.memory_space<vmem_shared>>
      tpu.enqueue_dma source(%dma_start3A_432 : memref<32xf32, #tpu.memory_space<vmem_shared>>) target(%dma_start3A_431 : memref<32xf32, #tpu.memory_space<vmem>>) target_semaphore(%run_scoped3A : memref<!tpu.dma_semaphore, #tpu.memory_space<semaphore_mem>>)
      %dma_wait3A = arith.constant 416 : i32
      %dma_wait3A_433 = tpu.memref_slice %arg10[%dma_wait3A] : memref<512xf32, #tpu.memory_space<vmem>> -> memref<32xf32, #tpu.memory_space<vmem>>
      %dma_wait3A_434 = tpu.memref_slice %arg13[%add3A_314] : memref<8192xf32, #tpu.memory_space<vmem_shared>> -> memref<32xf32, #tpu.memory_space<vmem_shared>>
      %dma_wait3A_435 = arith.constant 416 : i32
      %dma_wait3A_436 = tpu.memref_slice %arg10[%dma_wait3A_435] : memref<512xf32, #tpu.memory_space<vmem>> -> memref<32xf32, #tpu.memory_space<vmem>>
      %dma_wait3A_437 = tpu.memref_slice %arg13[%add3A_314] : memref<8192xf32, #tpu.memory_space<vmem_shared>> -> memref<32xf32, #tpu.memory_space<vmem_shared>>
      tpu.wait_dma2 semaphore(%run_scoped3A : memref<!tpu.dma_semaphore, #tpu.memory_space<semaphore_mem>>) src(%dma_wait3A_437 : memref<32xf32, #tpu.memory_space<vmem_shared>>) dst(%dma_wait3A_436 : memref<32xf32, #tpu.memory_space<vmem>>)
      tpu.yield
    }) : () -> ()
    %mul3A_315 = arith.constant 32 : i32
    %mul3A_316 = arith.muli %arg1, %mul3A_315 : i32
    %add3A_317 = arith.constant 7168 : i32
    %add3A_318 = arith.addi %add3A_317, %mul3A_316 : i32
    "tpu.region"() ({
      %run_scoped3A = tpu.sem_alloc : memref<!tpu.dma_semaphore, #tpu.memory_space<semaphore_mem>>
      %dma_start3A = arith.constant 448 : i32
      %dma_start3A_428 = tpu.memref_slice %arg10[%dma_start3A] : memref<512xf32, #tpu.memory_space<vmem>> -> memref<32xf32, #tpu.memory_space<vmem>>
      %dma_start3A_429 = tpu.memref_slice %arg13[%add3A_318] : memref<8192xf32, #tpu.memory_space<vmem_shared>> -> memref<32xf32, #tpu.memory_space<vmem_shared>>
      %dma_start3A_430 = arith.constant 448 : i32
      %dma_start3A_431 = tpu.memref_slice %arg10[%dma_start3A_430] : memref<512xf32, #tpu.memory_space<vmem>> -> memref<32xf32, #tpu.memory_space<vmem>>
      %dma_start3A_432 = tpu.memref_slice %arg13[%add3A_318] : memref<8192xf32, #tpu.memory_space<vmem_shared>> -> memref<32xf32, #tpu.memory_space<vmem_shared>>
      tpu.enqueue_dma source(%dma_start3A_432 : memref<32xf32, #tpu.memory_space<vmem_shared>>) target(%dma_start3A_431 : memref<32xf32, #tpu.memory_space<vmem>>) target_semaphore(%run_scoped3A : memref<!tpu.dma_semaphore, #tpu.memory_space<semaphore_mem>>)
      %dma_wait3A = arith.constant 448 : i32
      %dma_wait3A_433 = tpu.memref_slice %arg10[%dma_wait3A] : memref<512xf32, #tpu.memory_space<vmem>> -> memref<32xf32, #tpu.memory_space<vmem>>
      %dma_wait3A_434 = tpu.memref_slice %arg13[%add3A_318] : memref<8192xf32, #tpu.memory_space<vmem_shared>> -> memref<32xf32, #tpu.memory_space<vmem_shared>>
      %dma_wait3A_435 = arith.constant 448 : i32
      %dma_wait3A_436 = tpu.memref_slice %arg10[%dma_wait3A_435] : memref<512xf32, #tpu.memory_space<vmem>> -> memref<32xf32, #tpu.memory_space<vmem>>
      %dma_wait3A_437 = tpu.memref_slice %arg13[%add3A_318] : memref<8192xf32, #tpu.memory_space<vmem_shared>> -> memref<32xf32, #tpu.memory_space<vmem_shared>>
      tpu.wait_dma2 semaphore(%run_scoped3A : memref<!tpu.dma_semaphore, #tpu.memory_space<semaphore_mem>>) src(%dma_wait3A_437 : memref<32xf32, #tpu.memory_space<vmem_shared>>) dst(%dma_wait3A_436 : memref<32xf32, #tpu.memory_space<vmem>>)
      tpu.yield
    }) : () -> ()
    %mul3A_319 = arith.constant 32 : i32
    %mul3A_320 = arith.muli %arg1, %mul3A_319 : i32
    %add3A_321 = arith.constant 7680 : i32
    %add3A_322 = arith.addi %add3A_321, %mul3A_320 : i32
    "tpu.region"() ({
      %run_scoped3A = tpu.sem_alloc : memref<!tpu.dma_semaphore, #tpu.memory_space<semaphore_mem>>
      %dma_start3A = arith.constant 480 : i32
      %dma_start3A_428 = tpu.memref_slice %arg10[%dma_start3A] : memref<512xf32, #tpu.memory_space<vmem>> -> memref<32xf32, #tpu.memory_space<vmem>>
      %dma_start3A_429 = tpu.memref_slice %arg13[%add3A_322] : memref<8192xf32, #tpu.memory_space<vmem_shared>> -> memref<32xf32, #tpu.memory_space<vmem_shared>>
      %dma_start3A_430 = arith.constant 480 : i32
      %dma_start3A_431 = tpu.memref_slice %arg10[%dma_start3A_430] : memref<512xf32, #tpu.memory_space<vmem>> -> memref<32xf32, #tpu.memory_space<vmem>>
      %dma_start3A_432 = tpu.memref_slice %arg13[%add3A_322] : memref<8192xf32, #tpu.memory_space<vmem_shared>> -> memref<32xf32, #tpu.memory_space<vmem_shared>>
      tpu.enqueue_dma source(%dma_start3A_432 : memref<32xf32, #tpu.memory_space<vmem_shared>>) target(%dma_start3A_431 : memref<32xf32, #tpu.memory_space<vmem>>) target_semaphore(%run_scoped3A : memref<!tpu.dma_semaphore, #tpu.memory_space<semaphore_mem>>)
      %dma_wait3A = arith.constant 480 : i32
      %dma_wait3A_433 = tpu.memref_slice %arg10[%dma_wait3A] : memref<512xf32, #tpu.memory_space<vmem>> -> memref<32xf32, #tpu.memory_space<vmem>>
      %dma_wait3A_434 = tpu.memref_slice %arg13[%add3A_322] : memref<8192xf32, #tpu.memory_space<vmem_shared>> -> memref<32xf32, #tpu.memory_space<vmem_shared>>
      %dma_wait3A_435 = arith.constant 480 : i32
      %dma_wait3A_436 = tpu.memref_slice %arg10[%dma_wait3A_435] : memref<512xf32, #tpu.memory_space<vmem>> -> memref<32xf32, #tpu.memory_space<vmem>>
      %dma_wait3A_437 = tpu.memref_slice %arg13[%add3A_322] : memref<8192xf32, #tpu.memory_space<vmem_shared>> -> memref<32xf32, #tpu.memory_space<vmem_shared>>
      tpu.wait_dma2 semaphore(%run_scoped3A : memref<!tpu.dma_semaphore, #tpu.memory_space<semaphore_mem>>) src(%dma_wait3A_437 : memref<32xf32, #tpu.memory_space<vmem_shared>>) dst(%dma_wait3A_436 : memref<32xf32, #tpu.memory_space<vmem>>)
      tpu.yield
    }) : () -> ()
    %get3A_323 = arith.constant 0 : index
    %get3A_324 = tpu.vector_load %arg10[%get3A_323] {strides = array<i32>} : memref<512xf32, #tpu.memory_space<vmem>>, vector<16xf32>,
    %get3A_325 = arith.constant 32 : index
    %get3A_326 = tpu.vector_load %arg10[%get3A_325] {strides = array<i32>} : memref<512xf32, #tpu.memory_space<vmem>>, vector<16xf32>,
    %add3A_327 = arith.addf %get3A_324, %get3A_326 : vector<16xf32>
    %get3A_328 = arith.constant 64 : index
    %get3A_329 = tpu.vector_load %arg10[%get3A_328] {strides = array<i32>} : memref<512xf32, #tpu.memory_space<vmem>>, vector<16xf32>,
    %add3A_330 = arith.addf %add3A_327, %get3A_329 : vector<16xf32>
    %get3A_331 = arith.constant 96 : index
    %get3A_332 = tpu.vector_load %arg10[%get3A_331] {strides = array<i32>} : memref<512xf32, #tpu.memory_space<vmem>>, vector<16xf32>,
    %add3A_333 = arith.addf %add3A_330, %get3A_332 : vector<16xf32>
    %get3A_334 = arith.constant 128 : index
    %get3A_335 = tpu.vector_load %arg10[%get3A_334] {strides = array<i32>} : memref<512xf32, #tpu.memory_space<vmem>>, vector<16xf32>,
    %add3A_336 = arith.addf %add3A_333, %get3A_335 : vector<16xf32>
    %get3A_337 = arith.constant 160 : index
    %get3A_338 = tpu.vector_load %arg10[%get3A_337] {strides = array<i32>} : memref<512xf32, #tpu.memory_space<vmem>>, vector<16xf32>,
    %add3A_339 = arith.addf %add3A_336, %get3A_338 : vector<16xf32>
    %get3A_340 = arith.constant 192 : index
    %get3A_341 = tpu.vector_load %arg10[%get3A_340] {strides = array<i32>} : memref<512xf32, #tpu.memory_space<vmem>>, vector<16xf32>,
    %add3A_342 = arith.addf %add3A_339, %get3A_341 : vector<16xf32>
    %get3A_343 = arith.constant 224 : index
    %get3A_344 = tpu.vector_load %arg10[%get3A_343] {strides = array<i32>} : memref<512xf32, #tpu.memory_space<vmem>>, vector<16xf32>,
    %add3A_345 = arith.addf %add3A_342, %get3A_344 : vector<16xf32>
    %get3A_346 = arith.constant 256 : index
    %get3A_347 = tpu.vector_load %arg10[%get3A_346] {strides = array<i32>} : memref<512xf32, #tpu.memory_space<vmem>>, vector<16xf32>,
    %add3A_348 = arith.addf %add3A_345, %get3A_347 : vector<16xf32>
    %get3A_349 = arith.constant 288 : index
    %get3A_350 = tpu.vector_load %arg10[%get3A_349] {strides = array<i32>} : memref<512xf32, #tpu.memory_space<vmem>>, vector<16xf32>,
    %add3A_351 = arith.addf %add3A_348, %get3A_350 : vector<16xf32>
    %get3A_352 = arith.constant 320 : index
    %get3A_353 = tpu.vector_load %arg10[%get3A_352] {strides = array<i32>} : memref<512xf32, #tpu.memory_space<vmem>>, vector<16xf32>,
    %add3A_354 = arith.addf %add3A_351, %get3A_353 : vector<16xf32>
    %get3A_355 = arith.constant 352 : index
    %get3A_356 = tpu.vector_load %arg10[%get3A_355] {strides = array<i32>} : memref<512xf32, #tpu.memory_space<vmem>>, vector<16xf32>,
    %add3A_357 = arith.addf %add3A_354, %get3A_356 : vector<16xf32>
    %get3A_358 = arith.constant 384 : index
    %get3A_359 = tpu.vector_load %arg10[%get3A_358] {strides = array<i32>} : memref<512xf32, #tpu.memory_space<vmem>>, vector<16xf32>,
    %add3A_360 = arith.addf %add3A_357, %get3A_359 : vector<16xf32>
    %get3A_361 = arith.constant 416 : index
    %get3A_362 = tpu.vector_load %arg10[%get3A_361] {strides = array<i32>} : memref<512xf32, #tpu.memory_space<vmem>>, vector<16xf32>,
    %add3A_363 = arith.addf %add3A_360, %get3A_362 : vector<16xf32>
    %get3A_364 = arith.constant 448 : index
    %get3A_365 = tpu.vector_load %arg10[%get3A_364] {strides = array<i32>} : memref<512xf32, #tpu.memory_space<vmem>>, vector<16xf32>,
    %add3A_366 = arith.addf %add3A_363, %get3A_365 : vector<16xf32>
    %get3A_367 = arith.constant 480 : index
    %get3A_368 = tpu.vector_load %arg10[%get3A_367] {strides = array<i32>} : memref<512xf32, #tpu.memory_space<vmem>>, vector<16xf32>,
    %add3A_369 = arith.addf %add3A_366, %get3A_368 : vector<16xf32>
    %swap3A_370 = arith.constant 0 : index
    %swap3A_371 = tpu.vector_load %arg11[%swap3A_370] {strides = array<i32>} : memref<32xf32, #tpu.memory_space<vmem>>, vector<16xf32>,
    tpu.vector_store %arg11[%swap3A_370], %add3A_369 {strides = array<i32>} : memref<32xf32, #tpu.memory_space<vmem>>, vector<16xf32>,
    %get3A_372 = arith.constant 16 : index
    %get3A_373 = tpu.vector_load %arg10[%get3A_372] {strides = array<i32>} : memref<512xf32, #tpu.memory_space<vmem>>, vector<16xf32>,
    %get3A_374 = arith.constant 48 : index
    %get3A_375 = tpu.vector_load %arg10[%get3A_374] {strides = array<i32>} : memref<512xf32, #tpu.memory_space<vmem>>, vector<16xf32>,
    %add3A_376 = arith.addf %get3A_373, %get3A_375 : vector<16xf32>
    %get3A_377 = arith.constant 80 : index
    %get3A_378 = tpu.vector_load %arg10[%get3A_377] {strides = array<i32>} : memref<512xf32, #tpu.memory_space<vmem>>, vector<16xf32>,
    %add3A_379 = arith.addf %add3A_376, %get3A_378 : vector<16xf32>
    %get3A_380 = arith.constant 112 : index
    %get3A_381 = tpu.vector_load %arg10[%get3A_380] {strides = array<i32>} : memref<512xf32, #tpu.memory_space<vmem>>, vector<16xf32>,
    %add3A_382 = arith.addf %add3A_379, %get3A_381 : vector<16xf32>
    %get3A_383 = arith.constant 144 : index
    %get3A_384 = tpu.vector_load %arg10[%get3A_383] {strides = array<i32>} : memref<512xf32, #tpu.memory_space<vmem>>, vector<16xf32>,
    %add3A_385 = arith.addf %add3A_382, %get3A_384 : vector<16xf32>
    %get3A_386 = arith.constant 176 : index
    %get3A_387 = tpu.vector_load %arg10[%get3A_386] {strides = array<i32>} : memref<512xf32, #tpu.memory_space<vmem>>, vector<16xf32>,
    %add3A_388 = arith.addf %add3A_385, %get3A_387 : vector<16xf32>
    %get3A_389 = arith.constant 208 : index
    %get3A_390 = tpu.vector_load %arg10[%get3A_389] {strides = array<i32>} : memref<512xf32, #tpu.memory_space<vmem>>, vector<16xf32>,
    %add3A_391 = arith.addf %add3A_388, %get3A_390 : vector<16xf32>
    %get3A_392 = arith.constant 240 : index
    %get3A_393 = tpu.vector_load %arg10[%get3A_392] {strides = array<i32>} : memref<512xf32, #tpu.memory_space<vmem>>, vector<16xf32>,
    %add3A_394 = arith.addf %add3A_391, %get3A_393 : vector<16xf32>
    %get3A_395 = arith.constant 272 : index
    %get3A_396 = tpu.vector_load %arg10[%get3A_395] {strides = array<i32>} : memref<512xf32, #tpu.memory_space<vmem>>, vector<16xf32>,
    %add3A_397 = arith.addf %add3A_394, %get3A_396 : vector<16xf32>
    %get3A_398 = arith.constant 304 : index
    %get3A_399 = tpu.vector_load %arg10[%get3A_398] {strides = array<i32>} : memref<512xf32, #tpu.memory_space<vmem>>, vector<16xf32>,
    %add3A_400 = arith.addf %add3A_397, %get3A_399 : vector<16xf32>
    %get3A_401 = arith.constant 336 : index
    %get3A_402 = tpu.vector_load %arg10[%get3A_401] {strides = array<i32>} : memref<512xf32, #tpu.memory_space<vmem>>, vector<16xf32>,
    %add3A_403 = arith.addf %add3A_400, %get3A_402 : vector<16xf32>
    %get3A_404 = arith.constant 368 : index
    %get3A_405 = tpu.vector_load %arg10[%get3A_404] {strides = array<i32>} : memref<512xf32, #tpu.memory_space<vmem>>, vector<16xf32>,
    %add3A_406 = arith.addf %add3A_403, %get3A_405 : vector<16xf32>
    %get3A_407 = arith.constant 400 : index
    %get3A_408 = tpu.vector_load %arg10[%get3A_407] {strides = array<i32>} : memref<512xf32, #tpu.memory_space<vmem>>, vector<16xf32>,
    %add3A_409 = arith.addf %add3A_406, %get3A_408 : vector<16xf32>
    %get3A_410 = arith.constant 432 : index
    %get3A_411 = tpu.vector_load %arg10[%get3A_410] {strides = array<i32>} : memref<512xf32, #tpu.memory_space<vmem>>, vector<16xf32>,
    %add3A_412 = arith.addf %add3A_409, %get3A_411 : vector<16xf32>
    %get3A_413 = arith.constant 464 : index
    %get3A_414 = tpu.vector_load %arg10[%get3A_413] {strides = array<i32>} : memref<512xf32, #tpu.memory_space<vmem>>, vector<16xf32>,
    %add3A_415 = arith.addf %add3A_412, %get3A_414 : vector<16xf32>
    %get3A_416 = arith.constant 496 : index
    %get3A_417 = tpu.vector_load %arg10[%get3A_416] {strides = array<i32>} : memref<512xf32, #tpu.memory_space<vmem>>, vector<16xf32>,
    %add3A_418 = arith.addf %add3A_415, %get3A_417 : vector<16xf32>
    %swap3A_419 = arith.constant 16 : index
    %swap3A_420 = tpu.vector_load %arg11[%swap3A_419] {strides = array<i32>} : memref<32xf32, #tpu.memory_space<vmem>>, vector<16xf32>,
    tpu.vector_store %arg11[%swap3A_419], %add3A_418 {strides = array<i32>} : memref<32xf32, #tpu.memory_space<vmem>>, vector<16xf32>,
    %mul3A_421 = arith.constant 512 : i32
    %mul3A_422 = arith.muli %arg0, %mul3A_421 : i32
    %mul3A_423 = arith.constant 32 : i32
    %mul3A_424 = arith.muli %arg1, %mul3A_423 : i32
    %add3A_425 = arith.addi %mul3A_422, %mul3A_424 : i32
    "tpu.region"() ({
      %run_scoped3A = tpu.sem_alloc : memref<!tpu.dma_semaphore, #tpu.memory_space<semaphore_mem>>
      %dma_start3A = tpu.memref_slice %arg3[%add3A_425] : memref<1024xf32, #tpu.memory_space<hbm>> -> memref<32xf32, #tpu.memory_space<hbm>>
      %dma_start3A_428 = tpu.memref_slice %arg3[%add3A_425] : memref<1024xf32, #tpu.memory_space<hbm>> -> memref<32xf32, #tpu.memory_space<hbm>>
      tpu.enqueue_dma source(%arg11 : memref<32xf32, #tpu.memory_space<vmem>>) target(%dma_start3A_428 : memref<32xf32, #tpu.memory_space<hbm>>) target_semaphore(%run_scoped3A : memref<!tpu.dma_semaphore, #tpu.memory_space<semaphore_mem>>)
      %dma_wait3A = tpu.memref_slice %arg3[%add3A_425] : memref<1024xf32, #tpu.memory_space<hbm>> -> memref<32xf32, #tpu.memory_space<hbm>>
      %dma_wait3A_429 = tpu.memref_slice %arg3[%add3A_425] : memref<1024xf32, #tpu.memory_space<hbm>> -> memref<32xf32, #tpu.memory_space<hbm>>
      tpu.wait_dma2 semaphore(%run_scoped3A : memref<!tpu.dma_semaphore, #tpu.memory_space<semaphore_mem>>) src(%arg11 : memref<32xf32, #tpu.memory_space<vmem>>) dst(%dma_wait3A_429 : memref<32xf32, #tpu.memory_space<hbm>>)
      tpu.yield
    }) : () -> ()
    %eq3A = arith.constant 0 : i32
    %eq3A_426 = arith.cmpi eq, %arg1, %eq3A : i32
    %convert_element_type3A = arith.extui %eq3A_426 : i1 to i32
    %cond3A = arith.constant 0 : i32
    %cond3A_427 = arith.cmpi ne, %convert_element_type3A, %cond3A : i32
    scf.if %cond3A_427 {
      %eq3A_428 = arith.constant 0 : i32
      %eq3A_429 = vector.broadcast %eq3A_428 : i32 to vector<16xi32>
      %eq3A_430 = arith.cmpi eq, %iota3A, %eq3A_429 : vector<16xi32>
      %eq3A_431 = arith.constant 1 : i32
      %eq3A_432 = vector.broadcast %eq3A_431 : i32 to vector<16xi32>
      %eq3A_433 = arith.cmpi eq, %iota3A, %eq3A_432 : vector<16xi32>
      %jit3A = arith.constant 0.000000e+00 : f32
      %broadcast_in_dim3A_434 = vector.broadcast %jit3A : f32 to vector<16xf32>
      %select_n3A = arith.select %eq3A_433, %max3A_187, %broadcast_in_dim3A_434 : vector<16xi1>, vector<16xf32>
      %select_n3A_435 = arith.select %eq3A_430, %min3A_147, %select_n3A : vector<16xi1>, vector<16xf32>
      %swap3A_436 = arith.constant 0 : index
      %swap3A_437 = tpu.vector_load %arg8[%swap3A_436] {strides = array<i32>} : memref<16xf32, #tpu.memory_space<vmem>>, vector<16xf32>,
      tpu.vector_store %arg8[%swap3A_436], %select_n3A_435 {strides = array<i32>} : memref<16xf32, #tpu.memory_space<vmem>>, vector<16xf32>,
      %mul3A_438 = arith.constant 16 : i32
      %mul3A_439 = arith.muli %arg0, %mul3A_438 : i32
      "tpu.region"() ({
        %run_scoped3A = tpu.sem_alloc : memref<!tpu.dma_semaphore, #tpu.memory_space<semaphore_mem>>
        %dma_start3A = tpu.memref_slice %arg4[%mul3A_439] : memref<32xf32, #tpu.memory_space<hbm>> -> memref<16xf32, #tpu.memory_space<hbm>>
        %dma_start3A_440 = tpu.memref_slice %arg4[%mul3A_439] : memref<32xf32, #tpu.memory_space<hbm>> -> memref<16xf32, #tpu.memory_space<hbm>>
        tpu.enqueue_dma source(%arg8 : memref<16xf32, #tpu.memory_space<vmem>>) target(%dma_start3A_440 : memref<16xf32, #tpu.memory_space<hbm>>) target_semaphore(%run_scoped3A : memref<!tpu.dma_semaphore, #tpu.memory_space<semaphore_mem>>)
        %dma_wait3A = tpu.memref_slice %arg4[%mul3A_439] : memref<32xf32, #tpu.memory_space<hbm>> -> memref<16xf32, #tpu.memory_space<hbm>>
        %dma_wait3A_441 = tpu.memref_slice %arg4[%mul3A_439] : memref<32xf32, #tpu.memory_space<hbm>> -> memref<16xf32, #tpu.memory_space<hbm>>
        tpu.wait_dma2 semaphore(%run_scoped3A : memref<!tpu.dma_semaphore, #tpu.memory_space<semaphore_mem>>) src(%arg8 : memref<16xf32, #tpu.memory_space<vmem>>) dst(%dma_wait3A_441 : memref<16xf32, #tpu.memory_space<hbm>>)
        tpu.yield
      }) : () -> ()
    } else {
    }
    return
  }
}

</mosaic_0001>

<sc_bundles>
// kernel: kernel.3.cloned.1.call-start
scs
__scs_entry_jumppad:
0x0: {  	(pc) =	sbr.rel $0x88, $3  }
0x1: {  	(tag) =	ssettag $0x0;
	lr =	simm.s32 $0x1  }
0x2: {  	[smem:$0x3F9E] =	sst lr;
	_ =	strace $0xD0000000  }
0x3: {  	_ = 	snop  }
0x4: {  	_ = 	snop  }
0x5: {  	_ = 	snop  }
0x6: {  	_ = 	snop  }
0x7: {  	_ = 	snop  }
__scs_overlays_trampoline_lowered:
0x8: {  	[smem:$0x3FAD] =	sst s0  }
0x9: {  	[smem:$0x3FAE] =	sst s1  }
0xa: {  	[smem:$0x3FAF] =	sst s2  }
0xb: {  	[smem:$0x3FB0] =	sst s3  }
0xc: {  	[smem:$0x3FB1] =	sst s4  }
0xd: {  	[smem:$0x3FB2] =	sst s5  }
0xe: {  	[smem:$0x3FB3] =	sst s6  }
0xf: {  	[smem:$0x3FB4] =	sst s7  }
0x10: {  	[smem:$0x3FB5] =	sst s8  }
0x11: {  	[smem:$0x3FB6] =	sst s9;
	s0 =	simm.s32 @!p0 $0x0  }
0x12: {  	s1 =	sld [smem:$0x3F9C];
	s0 =	simm.s32 @p0 $0x1  }
0x13: {  	[smem:$0x3FB7] =	sst s0;
	s0 =	simm.s32 @!p1 $0x0  }
0x14: {  	s2 =	sld [smem:$0x3F9B];
	s0 =	simm.s32 @p1 $0x1  }
0x15: {  	[smem:$0x3FB8] =	sst s0;
	s0 =	simm.s32 @!p2 $0x0  }
0x16: {  	s3 =	sld [smem:$0x3FDB];
	s0 =	simm.s32 @p2 $0x1  }
0x17: {  	s4 =	simm.s32 $0x1BF5;
	[smem:$0x3FBA] =	sst s0  }
0x18: {  	s0 =	sld [smem:$0x3F9D];
	_ =	swait.ge [sflag:s4], $0x0  }
0x19: {  	s7 =	sld [smem:$0x3F9E]  }
0x1a: {  	s8 =	sadd.s32 $0xFFFFE003, lr  }
0x1b: {  	s9 =	sadd.s32 $0xFFFFFEF7, lr;
	s5 =	simm.s32 $0xFFFFFFFF;
	p2 =	slt.u32 s8, $0xFFFFF086  }
0x1c: {  	p1 =	slt.u32 s9, $0xF7A;
	s5 =	simm.s32 @!p2 $0x0  }
0x1d: {  	s5 =	simm.s32 @p1 $0x1;
	p0 =	seq.s32 s7, s2  }
0x1e: {  	s7 =	smul.u32 @!p0 $0xF7A, s2;
	p2 =	seq.s32 @!p0 s5, $0x0  }
0x1f: {  	s9 =	smul.u32 $0xF7A, s1;
	s8 =	simm.s32 @!p0 $0x1BF5;
	p2 =	por !p2, p0  }
0x20: {  	[sflag:s8] =	ssyncset.s32 @!p0 $0xFFFFF086;
	s6 =	sadd.s32 @!p0 s3, s7;
	s7 =	simm.s32 @!p0 $0x108  }
0x21: {  	s3 =	sadd.s32 s3, s9;
	s6 =	sadd.s32 @!p0 $0x88, s6;
	s7 =	simm.s32 @p2 $0x1082  }
0x22: {  	[simem:s7], [sflag:s8] =	dma.local @!p0 [hbm:s6], $0xF7A  }
0x23: {  	s9 =	sor.u32 $0xD0000000, s2;
	s6 =	simm.s32 $0x108;
	_ =	swait.ge @!p0 [sflag:s8], $0x0  }
0x24: {  	s3 =	sadd.s32 $0x88, s3;
	s6 =	simm.s32 @!p1 $0x1082;
	[sflag:s4] =	ssyncset.s32 $0xFFFFF086  }
0x25: {  	[simem:s6], [sflag:s4] =	dma.local [hbm:s3], $0xF7A  }
0x26: {  	[smem:$0x3F9E] =	sst s1;
	(tag) =	ssettag s2;
	_ =	strace s9  }
0x27: {  	s1 =	sld [smem:$0x3FAE]  }
0x28: {  	s2 =	sld [smem:$0x3FAF]  }
0x29: {  	s4 =	sld [smem:$0x3FB1]  }
0x2a: {  	p0 =	seq.s32 s5, $0x0;
	s5 =	sld [smem:$0x3FB2]  }
0x2b: {  	s6 =	sld [smem:$0x3FB3]  }
0x2c: {  	s7 =	sld [smem:$0x3FB4]  }
0x2d: {  	s3 =	simm.s32 $0x108;
	s8 =	sld [smem:$0x3FB5]  }
0x2e: {  	s3 =	simm.s32 @!p0 $0x1082;
	s9 =	sld [smem:$0x3FB6]  }
0x2f: {  	lr =	sadd.s32 s0, s3;
	s0 =	sld [smem:$0x3FAD]  }
0x30: {  	s3 =	sld [smem:$0x3FB0]  }
0x31: {  	[smem:$0x3FB9] =	sst s10  }
0x32: {  	s10 =	sld [smem:$0x3FB7];
	_ =	sdelay $0x3  }
0x33: {  	p0 =	seq.s32 s10, $0x1;
	s10 =	sld [smem:$0x3FB9];
	_ =	sdelay $0x3  }
0x34: {  	[smem:$0x3FB9] =	sst s10  }
0x35: {  	s10 =	sld [smem:$0x3FB8];
	_ =	sdelay $0x3  }
0x36: {  	p1 =	seq.s32 s10, $0x1;
	s10 =	sld [smem:$0x3FB9];
	_ =	sdelay $0x3  }
0x37: {  	[smem:$0x3FB9] =	sst s10  }
0x38: {  	s10 =	sld [smem:$0x3FBA]  }
0x39: {  	_ = 	snop;
	(pc) =	sbr.ind lr, $3  }
0x3a: {  	_ = 	snop  }
0x3b: {  	_ = 	snop  }
0x3c: {  	p2 =	seq.s32 s10, $0x1;
	s10 =	sld [smem:$0x3FB9]  }
0x3d: {  	_ =	shalt  }
0x3e: {  	_ =	shalt  }
0x3f: {  	_ =	shalt  }
0x40: {  	_ =	shalt  }
0x41: {  	_ =	shalt  }
0x42: {  	_ =	shalt  }
0x43: {  	_ =	shalt  }
0x44: {  	_ =	shalt  }
0x45: {  	_ =	shalt  }
0x46: {  	_ =	shalt  }
0x47: {  	_ =	shalt  }
0x48: {  	_ =	shalt  }
0x49: {  	_ =	shalt  }
0x4a: {  	_ =	shalt  }
0x4b: {  	_ =	shalt  }
0x4c: {  	_ =	shalt  }
0x4d: {  	_ =	shalt  }
0x4e: {  	_ =	shalt  }
0x4f: {  	_ =	shalt  }
0x50: {  	_ =	shalt  }
0x51: {  	_ =	shalt  }
0x52: {  	_ =	shalt  }
0x53: {  	_ =	shalt  }
0x54: {  	_ =	shalt  }
0x55: {  	_ =	shalt  }
0x56: {  	_ =	shalt  }
0x57: {  	_ =	shalt  }
0x58: {  	_ =	shalt  }
0x59: {  	_ =	shalt  }
0x5a: {  	_ =	shalt  }
0x5b: {  	_ =	shalt  }
0x5c: {  	_ =	shalt  }
0x5d: {  	_ =	shalt  }
0x5e: {  	_ =	shalt  }
0x5f: {  	_ =	shalt  }
0x60: {  	_ =	shalt  }
0x61: {  	_ =	shalt  }
0x62: {  	_ =	shalt  }
0x63: {  	_ =	shalt  }
0x64: {  	_ =	shalt  }
0x65: {  	_ =	shalt  }
0x66: {  	_ =	shalt  }
0x67: {  	_ =	shalt  }
0x68: {  	_ =	shalt  }
0x69: {  	_ =	shalt  }
0x6a: {  	_ =	shalt  }
0x6b: {  	_ =	shalt  }
0x6c: {  	_ =	shalt  }
0x6d: {  	_ =	shalt  }
0x6e: {  	_ =	shalt  }
0x6f: {  	_ =	shalt  }
0x70: {  	_ =	shalt  }
0x71: {  	_ =	shalt  }
0x72: {  	_ =	shalt  }
0x73: {  	_ =	shalt  }
0x74: {  	_ =	shalt  }
0x75: {  	_ =	shalt  }
0x76: {  	_ =	shalt  }
0x77: {  	_ =	shalt  }
0x78: {  	_ =	shalt  }
0x79: {  	_ =	shalt  }
0x7a: {  	_ =	shalt  }
0x7b: {  	_ =	shalt  }
0x7c: {  	_ =	shalt  }
0x7d: {  	_ =	shalt  }
0x7e: {  	_ =	shalt  }
0x7f: {  	_ =	shalt  }
0x80: {  	_ =	shalt  }
0x81: {  	_ =	shalt  }
0x82: {  	_ =	shalt  }
0x83: {  	_ =	shalt  }
0x84: {  	_ =	shalt  }
0x85: {  	_ =	shalt  }
0x86: {  	_ =	shalt  }
0x87: {  	_ =	shalt  }
.Lfunc_end0:
.L_simem_size_0:
called_computation_lowered:
.L_overlay_start_0:
0x88: {  	s2 =	sld [smem:$0x3FD9]  }
0x89: {  	s3 =	sld [smem:$0x3FFE];
	_ =	sdelay $0x1  }
0x8a: {  	s1 =	srdreg.scid  }
0x8b: {  	s0 =	sand.u32 $0x1, s1  }
0x8c: {  	s16 =	sshll.u32 s0, $0xA;
	s2 =	sadd.s32 s3, s2  }
0x8d: {  	s2 =	sadd.s32 s2, s16  }
0x8e: {  	[smem:$0x3FC5] =	sst s2  }
0x8f: {  	_ = 	snop  }
0x90: {  	(tm) =	ssettm $0x1  }
0x91: {  	s17 =	sld [smem:$0x3FFB];
	_ =	sdelay $0x3  }
0x92: {  	_ =	strace s17  }
0x93: {  	s2 =	sld [smem:$0x3FFC];
	_ =	sdelay $0x3  }
0x94: {  	_ =	strace s2  }
0x95: {  	s2 =	sld [smem:$0x3FFD];
	_ =	sdelay $0x3  }
0x96: {  	_ =	strace s2  }
0x97: {  	_ =	strace $0x8FFFFFFF  }
0x98: {  	s18 =	sld [smem:$0x3FDB];
	_ =	sdelay $0x1  }
0x99: {  	s19 =	simm.s32 $_scs_section_size  }
0x9a: {  	s4 =	simm.s32 $_size__tile_overlayer_lowered;
	s5 =	simm.s32 $_tile_overlayer_lowered  }
0x9b: {  	s22 =	simm.s32 $0x1BFF;
	s21 =	sshll.u32 s5, $0x1;
	s2 =	sadd.s32 s19, s18  }
0x9c: {  	s6 =	simm.s32 $0x0;
	s20 =	sshll.u32 s4, $0x1;
	s4 =	sadd.s32 s21, s2  }
0x9d: {  	[timem:s6], [sflag:s22] =	dma.local [hbm:s4], s20  }
0x9e: {  	_ =	swait.ge [sflag:s22], s20  }
0x9f: {  	s3 =	ssub.s32 $0x0, s20;
	[sflag:s22] =	ssyncset.done $0x0  }
0xa0: {  	[sflag:s22] =	ssyncadd.s32 s3;
	_ =	sdelay $0x1  }
0xa1: {  	s23 =	simm.s32 $0x1B8B  }
0xa2: {  	_ =	swait.ge [sflag:s23], $0x1  }
0xa3: {  	[sflag:s23] =	ssyncset.done $0x0  }
0xa4: {  	s25 =	simm.s32 $0x1B8E;
	s24 =	sld [smem:$0x3FFE];
	[sflag:s23] =	ssyncadd.s32 $0xFFFFFFFF  }
0xa5: {  	s26 =	simm.s32 $execute0_lowered;
	[smem:$0x3FD2] =	sst s25  }
0xa6: {  	s4 =	sshll.u32 s26, $0x1;
	_ =	strace $0x80000046;
	[dreg:$0x1] =	wrdreg $0xFFFFFFFF  }
0xa7: {  	s28 =	simm.s32 $_size_execute0_lowered;
	s2 =	sadd.s32 s2, s4;
	[dreg:$0x0] =	wrdreg $0x0  }
0xa8: {  	s4 =	sshll.u32 s28, $0x1;
	[dreg:$0x2] =	wrdreg s2  }
0xa9: {  	[dreg:$0x3] =	wrdreg s4  }
0xaa: {  	[dreg:$0x4] =	wrdreg $0xC0  }
0xab: {  	_ =	task [dreg:s6], $0x5FFFF  }
0xac: {  	[dreg:$0x1] =	wrdreg $0xFFFFFFFF  }
0xad: {  	[dreg:$0x0] =	wrdreg $0x60  }
0xae: {  	[dreg:$0x2] =	wrdreg s24  }
0xaf: {  	[dreg:$0x3] =	wrdreg $0x47000  }
0xb0: {  	[dreg:$0x4] =	wrdreg $0x47200  }
0xb1: {  	[dreg:$0x5] =	wrdreg $0x9  }
0xb2: {  	_ =	task.clear_ibuf [dreg:s6], $0x6FFFF;
	_ =	strace $0x90000046  }
0xb3: {  	s29 =	simm.s32 $0x9;
	_ =	strace $0x80000048  }
0xb4: {  	_ =	swait.ge [sflag:s29], $0x1  }
0xb5: {  	[sflag:s29] =	ssyncadd.s32 $0xFFFFFFFF  }
0xb6: {  	_ =	strace $0x90000048  }
0xb7: {  	_ =	sfence  }
0xb8: {  	s30 =	sld [smem:$0x0];
	_ =	sdelay $0x2  }
0xb9: {  	s31 =	sshll.u32 s1, $0xD;
	s1 =	sshrl.u32 s1, $0x2  }
0xba: {  	s3 =	sand.u32 $0x4000, s31;
	s1 =	sadd.s32 s1, s30  }
0xbb: {  	s0 =	sor.u32 s3, s0;
	s1 =	sshll.u32 s1, $0x11  }
0xbc: {  	s0 =	sor.u32 s1, s0  }
0xbd: {  	s0 =	sadd.s32 $0x8F2B, s0  }
0xbe: {  	[sflag:s0] =	ssyncadd.remote.s32 $0x1  }
0xbf: {  	_ =	sfence.sel $0xFFFF  }
0xc0: {  	[dreg:$0x0] =	wrdreg $0xFFFFFFFF;
	(pc) =	sbr.abs _section_cstart, $3  }
0xc1: {  	[dreg:$0x1] =	wrdreg $0xFFFFFFFF  }
0xc2: {  	_ =	task.clear_ibuf [dreg:s6], $0x2FFFF;
	_ =	strace $0x9FFFFFFF  }
0xc3: {  	(tm) =	ssettm $0x7FFFFFFF  }
tec
execute0_lowered:
.L_overlay_start_1:
0x0: {  	(tag) =	ssettag $0x1  }
0x1: {  	s0 =	rddreg [dreg:$0x0]  }
0x2: {  	s1 =	srdreg.scid;
	s7 =	rddreg [dreg:$0x1]  }
0x3: {  	s22 =	stileid.u32;
	s16 =	rddreg [dreg:$0x2]  }
0x4: {  	s2 =	simm.s32 $0x0;
	s26 =	simm.s32 $0x1;
	s28 =	simm.s32 $0x4200  }
0x5: {  	v1 =	vimm.s32 $0xFEDCBA98;
	v2 =	vimm.s32 $0x3210FEDC;
	s1 =	sand.u32 $0x1, s1;
	s5 =	sshll.u32 s22, $0x5;
	[smem:$0x7FF] =	sst s2  }
0x6: {  	v3 =	vimm.s32 $0xBA987654;
	v4 =	vimm.s32 $0x10FEDCBA;
	s4 =	sshll.u32 s22, $0xA;
	s31 =	sshll.u32 s22, $0x9;
	p0 =	sne.s32 s22, $0x0  }
0x7: {  	v0 =	vimm.f32 $5.000000000e+02;
	v5 =	vimm.s32 $0x98765432;
	s3 =	sshll.u32 s1, $0x9;
	_ =	strace $0x80000047;
	s29 =	sshll.u32 s1, $0x1  }
0x8: {  	v6 =	vimm.s32 $0xFEDCBA9;
	v7 =	vimm.s32 $0x87654321;
	v1 =	vunpack.c.l.s4.s8 v1;
	s30 =	ssub.s32 $0x2, s1;
	s1 =	sshll.u32 s1, $0xE;
	s3 =	sor.u32 s5, s3  }
0x9: {  	v2 =	vunpack.c.l.s4.s8 v2;
	v3 =	vunpack.c.l.s4.s8 v3;
	s24 =	sadd.s32 s29, s0;
	s6 =	sshrl.u32 s30, $0x1;
	(erf) = vrcp.f32 v0;
	s3 =	sshrl.u32 s3, $0x3  }
0xa: {  	v4 =	vunpack.c.l.s4.s8 v4;
	v5 =	vunpack.c.l.s4.s8 v5;
	v6 =	vunpack.c.l.s4.s8 v6;
	s25 =	ssub.s32 s30, s6;
	s24 =	sadd.s32 $0x8000, s24;
	s23 =	sadd.s32 s3, s0  }
0xb: {  	v7 =	vunpack.c.l.s4.s8 v7;
	vm0 =	vcmask @!p0 $0x3F08;
	vm1 =	vmmov @!p0 $0x1;
	s0 =	sadd.s32 s0, s4;
	s4 =	sadd.s32 s5, s16;
	s5 =	sadd.s32 s5, s7  }
0xc: {  	v0 =	vimm.s32 $0x76543210;
	v2 =	vunpack.c.0.s8.s32 v2;
	v3 =	vunpack.c.0.s8.s32 v3;
	s16 =	sadd.s32 s31, s16;
	s25 =	smax.u32 s25, $0x1;
	s3 =	sadd.s32 s1, s0  }
0xd: {  	v4 =	vunpack.c.0.s8.s32 v4;
	v5 =	vunpack.c.0.s8.s32 v5;
	v0 =	vunpack.c.l.s4.s8 v0;
	s6 =	sadd.s32 $0x200, s4;
	s7 =	sadd.s32 $0x400, s4;
	s8 =	sadd.s32 $0x600, s4  }
0xe: {  	v1 =	vunpack.c.0.s8.s32 v1;
	v6 =	vunpack.c.0.s8.s32 v6;
	v7 =	vunpack.c.0.s8.s32 v7;
	s9 =	sadd.s32 $0x800, s4;
	s10 =	sadd.s32 $0x10, s5;
	s11 =	sadd.s32 $0xA00, s4  }
0xf: {  	v2 =	vcombine.low v3, v2;
	v3 =	vcombine.low v5, v4;
	s12 =	sadd.s32 $0xC00, s4;
	s13 =	sadd.s32 $0xE00, s4;
	s14 =	sadd.s32 $0x1000, s4;
	v0 =	vunpack.c.0.s8.s32 v0  }
0x10: {  	v1 =	vand.u32 $0xF, v1;
	v4 =	vcombine.low v7, v6;
	v6 =	vlaneseq.u32;
	s15 =	sadd.s32 $0x1200, s4;
	s17 =	sadd.s32 $0x1400, s4;
	s18 =	sadd.s32 $0x1600, s4  }
0x11: {  	s19 =	sadd.s32 $0x1800, s4;
	s20 =	sadd.s32 $0x1A00, s4;
	s21 =	sadd.s32 $0x1C00, s4;
	v6 =	vmul.u32 $0x200, v6;
	v0 =	vcombine.low v1, v0;
	v1 =	vand.u32 $0xF, v2  }
0x12: {  	s22 =	sadd.s32 $0x1E00, s4;
	s23 =	sadd.s32 $0x8200, s23;
	s0 =	simm.s32 $0x0;
	v2 =	vand.u32 $0xF, v3;
	v3 =	vand.u32 $0xF, v4;
	v4 =	vimm.f32 $0.0e+00;
	v5 =	vpop (erf)  }
.LBB2_1:
0x13: {  	[tilespmem:s2], [sflag:$0x1] =	stream.linear.gather [hbm4b:s3+s2], $0x2000, $0x38;
	[tilespmem:$0x4920] =	vst v63  }
0x14: {  	_ =	swait.ge [sflag:s26], $0x2000  }
0x15: {  	[sflag:s26] =	ssyncset.done $0x0  }
0x16: {  	[sflag:s26] =	ssyncadd.s32 $0xFFFFE000  }
0x17: {  	v11 =	vld [tilespmem:$0x0]  }
0x18: {  	s29 =	simm.s32 $0x0  }
0x19: {  	v10 =	vld [tilespmem:s29+$0x0]  }
0x1a: {  	v9 =	vld [tilespmem:s29+$0x10]  }
0x1b: {  	v7 =	vld [tilespmem:s29+$0x20]  }
0x1c: {  	s1 =	simm.s32 $0x100;
	v8 =	vld [tilespmem:s29+$0x30];
	v12 =	vmov v11  }
.LBB2_2:
0x1d: {  	p1 =	sne.s32 s1, $0x7F00  }
.Ltmp0:
0x1e: {  	s29 =	sshra.s32 s1, $0x2;
	s1 =	sadd.s32 $0x100, s1;
	v11 =	vmin.f32 v11, v10;
	v12 =	vmax.f32 v12, v10;
	(pc) =	sbr.rel @p1 .LBB2_2-.Ltmp0, $4  }
0x1f: {  	v10 =	vld [tilespmem:s29+$0x0];
	v11 =	vmin.f32 v11, v9;
	v12 =	vmax.f32 v12, v9  }
0x20: {  	v9 =	vld [tilespmem:s29+$0x10];
	v11 =	vmin.f32 v11, v7;
	v12 =	vmax.f32 v12, v7  }
0x21: {  	v7 =	vld [tilespmem:s29+$0x20];
	v11 =	vmin.f32 v11, v8;
	v12 =	vmax.f32 v12, v8  }
0x22: {  	v8 =	vld [tilespmem:s29+$0x30]  }
0x23: {  	_ = 	snop  }
0x24: {  	v11 =	vmin.f32 v11, v10  }
0x25: {  	v11 =	vmin.f32 v11, v9  }
0x26: {  	v11 =	vmin.f32 v11, v7  }
0x27: {  	v11 =	vmin.f32 v11, v8  }
0x28: {  	[tilespmem:$0x4200] =	vst v11  }
0x29: {  	v10 =	vmax.f32 v12, v10;
	[spmem:s5] =	stream.linear.scatter [tilespmem:s28], [sflag:$0x1], $0x10, $0x38;
	[tilespmem:$0x4920] =	vst v63  }
0x2a: {  	v9 =	vmax.f32 v10, v9;
	_ =	swait.ge [sflag:s26], $0x10  }
0x2b: {  	v7 =	vmax.f32 v9, v7;
	[sflag:s26] =	ssyncset.done $0x0  }
0x2c: {  	v7 =	vmax.f32 v7, v8;
	[sflag:s26] =	ssyncadd.s32 $0xFFFFFFF0  }
0x2d: {  	[tilespmem:$0x4200] =	vst v7  }
0x2e: {  	[spmem:s10] =	stream.linear.scatter [tilespmem:s28], [sflag:$0x1], $0x10, $0x38;
	[tilespmem:$0x4920] =	vst v63  }
0x2f: {  	_ =	swait.ge [sflag:s26], $0x10  }
0x30: {  	[sflag:s26] =	ssyncset.done $0x0  }
0x31: {  	[sflag:s26] =	ssyncadd.s32 $0xFFFFFFF0  }
0x32: {  	[bflag:$0x0] =	sbarrier.arrive $0xFFFF  }
0x33: {  	s29 =	simm.s32 $0x4280;
	s1 =	rddreg [dreg:$0x1]  }
0x34: {  	[tilespmem:s29], [sflag:$0x1] =	stream.linear.gather [spmem:s1], $0x200, $0x38;
	[tilespmem:$0x4920] =	vst v63  }
0x35: {  	_ =	swait.ge [sflag:s26], $0x200  }
0x36: {  	[sflag:s26] =	ssyncset.done $0x0  }
0x37: {  	[sflag:s26] =	ssyncadd.s32 $0xFFFFFE00  }
0x38: {  	v7 =	vld [tilespmem:$0x4280]  }
0x39: {  	v8 =	vld [tilespmem:$0x42A0]  }
0x3a: {  	v9 =	vld [tilespmem:$0x42C0]  }
0x3b: {  	v10 =	vld [tilespmem:$0x42E0]  }
0x3c: {  	v11 =	vld [tilespmem:$0x4300]  }
0x3d: {  	v55 =	vld [tilespmem:$0x4320]  }
0x3e: {  	v7 =	vmin.f32 v7, v8;
	v8 =	vld [tilespmem:$0x4340]  }
0x3f: {  	v7 =	vmin.f32 v7, v9;
	v9 =	vld [tilespmem:$0x4360]  }
0x40: {  	v7 =	vmin.f32 v7, v10;
	v10 =	vld [tilespmem:$0x4380]  }
0x41: {  	v7 =	vmin.f32 v7, v11;
	v11 =	vld [tilespmem:$0x43A0]  }
0x42: {  	v56 =	vld [tilespmem:$0x43C0];
	v7 =	vmin.f32 v7, v55  }
0x43: {  	v7 =	vmin.f32 v7, v8;
	v8 =	vld [tilespmem:$0x43E0]  }
0x44: {  	v7 =	vmin.f32 v7, v9;
	v9 =	vld [tilespmem:$0x4400]  }
0x45: {  	v7 =	vmin.f32 v7, v10;
	v10 =	vld [tilespmem:$0x4420]  }
0x46: {  	v7 =	vmin.f32 v7, v11;
	v11 =	vld [tilespmem:$0x4440]  }
0x47: {  	v57 =	vld [tilespmem:$0x4460];
	v7 =	vmin.f32 v7, v56  }
0x48: {  	v7 =	vmin.f32 v7, v8  }
0x49: {  	v7 =	vmin.f32 v7, v9  }
0x4a: {  	v7 =	vmin.f32 v7, v10  }
0x4b: {  	v58 =	vld [tilespmem:$0x42F0];
	v7 =	vmin.f32 v7, v11  }
0x4c: {  	v13 =	vld [tilespmem:$0x4310];
	v7 =	vmin.f32 v7, v57  }
0x4d: {  	v8 =	vld [tilespmem:$0x4290];
	[tilespmem:$0x4200] =	vst v7  }
0x4e: {  	v10 =	vld.idx.msk [tilespmem:v0+s28+$0x0], $0xffff  }
0x4f: {  	v9 =	vld [tilespmem:$0x42B0]  }
0x50: {  	v11 =	vld [tilespmem:$0x42D0]  }
0x51: {  	v14 =	vld [tilespmem:$0x4330]  }
0x52: {  	v15 =	vld [tilespmem:$0x4350]  }
0x53: {  	v59 =	vld [tilespmem:$0x43B0];
	v7 =	vmin.f32 v7, v10  }
0x54: {  	v8 =	vmax.f32 v8, v9;
	v10 =	vld [tilespmem:$0x4370];
	[tilespmem:$0x4200] =	vst v7  }
0x55: {  	v8 =	vmax.f32 v8, v11;
	v9 =	vld.idx.msk [tilespmem:v1+s28+$0x0], $0xffff  }
0x56: {  	v11 =	vld [tilespmem:$0x4390];
	v8 =	vmax.f32 v8, v58  }
0x57: {  	v60 =	vld [tilespmem:$0x43D0];
	v8 =	vmax.f32 v8, v13  }
0x58: {  	v61 =	vld [tilespmem:$0x43F0];
	v8 =	vmax.f32 v8, v14  }
0x59: {  	v62 =	vld [tilespmem:$0x4450];
	v8 =	vmax.f32 v8, v15  }
0x5a: {  	v8 =	vmax.f32 v8, v10;
	v7 =	vmin.f32 v7, v9;
	v9 =	vld [tilespmem:$0x4410]  }
0x5b: {  	v10 =	vld [tilespmem:$0x4430];
	v8 =	vmax.f32 v8, v11;
	[tilespmem:$0x4200] =	vst v7  }
0x5c: {  	v8 =	vmax.f32 v8, v59;
	v11 =	vld.idx.msk [tilespmem:v2+s28+$0x0], $0xffff  }
0x5d: {  	v63 =	vld [tilespmem:$0x4470];
	v8 =	vmax.f32 v8, v60  }
0x5e: {  	v8 =	vmax.f32 v8, v61  }
0x5f: {  	v8 =	vmax.f32 v8, v9  }
0x60: {  	v8 =	vmax.f32 v8, v10  }
0x61: {  	v7 =	vmin.f32 v7, v11;
	v8 =	vmax.f32 v8, v62  }
0x62: {  	[tilespmem:$0x4200] =	vst v7;
	v9 =	vmax.f32 v8, v63  }
0x63: {  	v8 =	vld.idx.msk [tilespmem:v3+s28+$0x0], $0xffff;
	[tilespmem:$0x4200] =	vst v9  }
0x64: {  	v10 =	vld.idx.msk [tilespmem:v0+s28+$0x0], $0xffff;
	_ =	sdelay $0x4  }
0x65: {  	v9 =	vmax.f32 v9, v10  }
0x66: {  	[tilespmem:$0x4200] =	vst v9  }
0x67: {  	v10 =	vld.idx.msk [tilespmem:v1+s28+$0x0], $0xffff;
	_ =	sdelay $0x4  }
0x68: {  	v9 =	vmax.f32 v9, v10  }
0x69: {  	[tilespmem:$0x4200] =	vst v9  }
0x6a: {  	v10 =	vld.idx.msk [tilespmem:v2+s28+$0x0], $0xffff;
	_ =	sdelay $0x4  }
0x6b: {  	v9 =	vmax.f32 v9, v10  }
0x6c: {  	[tilespmem:$0x4200] =	vst v9  }
0x6d: {  	s29 =	simm.s32 $0x40;
	s1 =	simm.s32 $0x0;
	v10 =	vld.idx.msk [tilespmem:v3+s28+$0x0], $0xffff  }
.LBB2_4:
0x6e: {  	p1 =	sne.s32 s29, $0x7FC0;
	[tilespmem:s1+$0x2000] =	vst v4;
	s1 =	smov.u32 s29;
	s29 =	sadd.s32 $0x40, s29  }
.Ltmp1:
0x6f: {  	(pc) =	sbr.rel @p1 .LBB2_4-.Ltmp1, $2  }
0x70: {  	_ =	sdelay $0x2  }
0x71: {  	s1 =	sshra.s32 s1, $0x2  }
0x72: {  	v7 =	vmin.f32 v7, v8;
	v8 =	vmax.f32 v9, v10  }
0x73: {  	v10 =	vsub.f32 v8, v7;
	_ =	sdelay $0x1  }
0x74: {  	v9 =	vmul.f32 v10, v5;
	_ =	sdelay $0x1  }
0x75: {  	v11 =	vmul.f32 $5.000000000e-01, v9;
	_ =	sdelay $0x1  }
0x76: {  	v11 =	vmul.f32 v11, v11;
	_ =	sdelay $0x1  }
0x77: {  	v11 =	vadd.f32 v11, v11  }
0x78: {  	(erf) = vrcp.f32 v10  }
0x79: {  	(erf) = vrcp.f32 v11;
	_ =	sdelay $0x7  }
0x7a: {  	v10 =	vpop (erf)  }
0x7b: {  	v12 =	vpop (erf)  }
0x7c: {  	v14 =	vmul.f32 $4.097000000e+03, v11;
	v13 =	vmul.f32 $4.097000000e+03, v12;
	_ =	sdelay $0x1  }
0x7d: {  	v16 =	vsub.f32 v11, v14;
	v15 =	vsub.f32 v13, v12;
	_ =	sdelay $0x1  }
0x7e: {  	v14 =	vadd.f32 v16, v14;
	v13 =	vsub.f32 v13, v15;
	_ =	sdelay $0x1  }
0x7f: {  	v15 =	vmul.f32 v12, v11;
	v11 =	vsub.f32 v11, v14;
	v16 =	vmul.f32 v13, v14;
	_ =	sdelay $0x1  }
0x80: {  	v17 =	vsub.f32 v12, v13;
	v13 =	vmul.f32 v11, v13;
	v16 =	vsub.f32 v16, v15;
	_ =	sdelay $0x1  }
0x81: {  	v14 =	vmul.f32 v17, v14;
	v13 =	vadd.f32 v16, v13;
	_ =	sdelay $0x1  }
0x82: {  	v11 =	vmul.f32 v17, v11;
	v13 =	vadd.f32 v13, v14;
	_ =	sdelay $0x1  }
0x83: {  	v11 =	vadd.f32 v13, v11;
	v13 =	vsub.f32 $1.000000000e+00, v15;
	_ =	sdelay $0x1  }
0x84: {  	v11 =	vsub.f32 v13, v11;
	_ =	sdelay $0x1  }
0x85: {  	v13 =	vmul.f32 v11, v12;
	_ =	sdelay $0x1  }
0x86: {  	[tilespmem:s1+$0x2000] =	vst v4;
	s29 =	simm.s32 $0x0;
	s30 =	simm.s32 $0x0;
	v10 =	vmul.f32 $5.000000000e+02, v10;
	v11 =	vsub.f32 $0.0e+00, v12;
	v12 =	vsub.f32 $0.0e+00, v13  }
.LBB2_6:
0x87: {  	s1 =	sshra.s32 s30, $0x2  }
0x88: {  	v13 =	vld [tilespmem:s1+$0x0];
	_ =	sdelay $0x4  }
0x89: {  	v14 =	vsub.f32 v13, v7;
	_ =	sdelay $0x1  }
0x8a: {  	v14 =	vmul.f32 v14, v10;
	_ =	sdelay $0x1  }
0x8b: {  	v14 =	vtrunc.f32 v14  }
0x8c: {  	v15 =	vcvt.f32.s32 v14;
	_ =	sdelay $0x1  }
0x8d: {  	v16 =	vadd.s32 $0xFFFFFFFD, v15  }
0x8e: {  	v18 =	vadd.s32 $0xFFFFFFFE, v15;
	v17 =	vcvt.s32.f32 v16  }
0x8f: {  	v19 =	vcvt.s32.f32 v18  }
0x90: {  	v17 =	vadd.f32 $5.000000000e-01, v17  }
0x91: {  	v19 =	vadd.f32 $5.000000000e-01, v19  }
0x92: {  	v17 =	vmul.f32 v17, v9  }
0x93: {  	v19 =	vmul.f32 v19, v9  }
0x94: {  	v14 =	vadd.f32 $5.000000000e-01, v14;
	v20 =	vadd.s32 $0xFFFFFFFF, v15;
	v17 =	vadd.f32 v17, v7  }
0x95: {  	v52 =	vadd.s32 $0x1, v15;
	v21 =	vcvt.s32.f32 v20;
	v19 =	vadd.f32 v19, v7  }
0x96: {  	v24 =	vadd.s32 $0x2, v15;
	v26 =	vadd.s32 $0x3, v15;
	v17 =	vsub.f32 v13, v17  }
0x97: {  	v14 =	vmul.f32 v14, v9;
	v21 =	vadd.f32 $5.000000000e-01, v21;
	v19 =	vsub.f32 v13, v19  }
0x98: {  	vm5 =	vgt.s32 v15, $0x0;
	v53 =	vcvt.s32.f32 v52;
	v17 =	vmul.f32 v17, v17  }
0x99: {  	vm11 =	vlt.u32 v15, $0x1F4;
	v21 =	vmul.f32 v21, v9;
	v19 =	vmul.f32 v19, v19  }
0x9a: {  	vm2 =	vgt.s32 v16, $0x0;
	v22 =	vmul.f32 v17, v11;
	v17 =	vmul.f32 v17, v12  }
0x9b: {  	vm3 =	vgt.s32 v18, $0x0;
	v48 =	vmul.f32 v19, v11;
	v19 =	vmul.f32 v19, v12  }
0x9c: {  	v25 =	vcvt.s32.f32 v24;
	v21 =	vadd.f32 v21, v7;
	v17 =	vadd.f32 v17, v22  }
0x9d: {  	v55 =	vcvt.s32.f32 v26;
	vm4 =	vgt.s32 v20, $0x0;
	v19 =	vadd.f32 v19, v48  }
0x9e: {  	v23 =	vnsel vm2, $0x0, v16;
	v49 =	vsub.f32 v13, v21;
	v17 =	vmul.f32 $1.442695020e+00, v17  }
0x9f: {  	vm2 =	vlt.u32 v16, $0x1F4;
	v51 =	vnsel vm3, $0x0, v18;
	v19 =	vmul.f32 $1.442695020e+00, v19  }
0xa0: {  	vm3 =	vlt.u32 v18, $0x1F4;
	v16 =	vmul.f32 v49, v49;
	(erf) = vpow2.f32 v17  }
0xa1: {  	v14 =	vadd.f32 v14, v7;
	(erf) = vpow2.f32 v19;
	v19 =	vadd.f32 $5.000000000e-01, v53  }
0xa2: {  	v25 =	vadd.f32 $5.000000000e-01, v25;
	v18 =	vadd.f32 $5.000000000e-01, v55;
	v54 =	vmul.f32 v16, v11  }
0xa3: {  	v14 =	vsub.f32 v13, v14;
	v16 =	vmul.f32 v16, v12;
	v19 =	vmul.f32 v19, v9  }
0xa4: {  	v23 =	vmin.u32 v23, $0x1FF;
	v56 =	vmul.f32 v25, v9;
	v18 =	vmul.f32 v18, v9  }
0xa5: {  	v14 =	vmul.f32 v14, v14;
	v16 =	vadd.f32 v16, v54;
	v19 =	vadd.f32 v19, v7  }
0xa6: {  	v50 =	vor.u32 v6, v23;
	v23 =	vadd.f32 v56, v7;
	v18 =	vadd.f32 v18, v7  }
0xa7: {  	v60 =	vmul.f32 v14, v11;
	v16 =	vmul.f32 $1.442695020e+00, v16;
	v19 =	vsub.f32 v13, v19  }
0xa8: {  	v14 =	vmul.f32 v14, v12;
	v59 =	vsub.f32 v13, v23;
	v13 =	vsub.f32 v13, v18  }
0xa9: {  	vm10 =	vlt.u32 v20, $0x1F4;
	(erf) = vpow2.f32 v16;
	v58 =	vmul.f32 v19, v19  }
0xaa: {  	v27 =	vnsel vm5, $0x0, v15;
	v19 =	vmul.f32 v59, v59;
	v13 =	vmul.f32 v13, v13  }
0xab: {  	vm6 =	vgt.s32 v52, $0x0;
	v62 =	vmul.f32 v58, v11;
	v16 =	vmul.f32 v58, v12  }
0xac: {  	v14 =	vadd.f32 v14, v60;
	v63 =	vmul.f32 v19, v11;
	v19 =	vmul.f32 v19, v12  }
0xad: {  	v25 =	vmul.f32 v13, v11;
	v13 =	vmul.f32 v13, v12;
	v16 =	vadd.f32 v16, v62  }
0xae: {  	vm12 =	vlt.u32 v52, $0x1F4;
	v14 =	vmul.f32 $1.442695020e+00, v14;
	v19 =	vadd.f32 v19, v63  }
0xaf: {  	vm7 =	vgt.s32 v24, $0x0;
	v13 =	vadd.f32 v13, v25;
	v16 =	vmul.f32 $1.442695020e+00, v16  }
0xb0: {  	vm13 =	vgt.s32 v26, $0x0;
	(erf) = vpow2.f32 v14;
	v14 =	vmul.f32 $1.442695020e+00, v19  }
0xb1: {  	vm14 =	vlt.u32 v24, $0x1F4;
	v13 =	vmul.f32 $1.442695020e+00, v13;
	(erf) = vpow2.f32 v16  }
0xb2: {  	v57 =	vnsel vm4, $0x0, v20;
	v21 =	vmin.u32 v51, $0x1FF;
	(erf) = vpow2.f32 v14  }
0xb3: {  	v61 =	vmin.u32 v57, $0x1FF;
	v21 =	vor.u32 v6, v21;
	(erf) = vpow2.f32 v13  }
0xb4: {  	v28 =	vmin.u32 v27, $0x1FF;
	v15 =	vnsel vm6, $0x0, v52;
	v18 =	vor.u32 v6, v61  }
0xb5: {  	v14 =	vor.u32 v6, v28;
	v13 =	vmin.u32 v15, $0x1FF;
	v15 =	vnsel vm7, $0x0, v24  }
0xb6: {  	s31 =	simm.s32 $0x2000;
	v30 =	vnsel vm13, $0x0, v26;
	v29 =	vpop (erf);
	v13 =	vor.u32 v6, v13;
	v15 =	vmin.u32 v15, $0x1FF  }
0xb7: {  	v32 =	vmin.u32 v30, $0x1FF;
	[tilespmem:v50+s31+$0x0] =	vst.idx.add.f32.msk vm2, v29;
	v31 =	vpop (erf);
	vm2 =	vlt.u32 v26, $0x1F4;
	v15 =	vor.u32 v6, v15  }
0xb8: {  	v17 =	vor.u32 v6, v32;
	[tilespmem:v21+s31+$0x0] =	vst.idx.add.f32.msk vm3, v31;
	v33 =	vpop (erf)  }
0xb9: {  	[tilespmem:v18+s31+$0x0] =	vst.idx.add.f32.msk vm10, v33;
	v34 =	vpop (erf)  }
0xba: {  	[tilespmem:v14+s31+$0x0] =	vst.idx.add.f32.msk vm11, v34;
	v14 =	vpop (erf)  }
0xbb: {  	[tilespmem:v13+s31+$0x0] =	vst.idx.add.f32.msk vm12, v14;
	v13 =	vpop (erf)  }
0xbc: {  	[tilespmem:v15+s31+$0x0] =	vst.idx.add.f32.msk vm14, v13;
	v13 =	vpop (erf)  }
0xbd: {  	[tilespmem:v17+s31+$0x0] =	vst.idx.add.f32.msk vm2, v13  }
0xbe: {  	v13 =	vld [tilespmem:s1+$0x10];
	_ =	sdelay $0x4  }
0xbf: {  	v14 =	vsub.f32 v13, v7;
	_ =	sdelay $0x1  }
0xc0: {  	v14 =	vmul.f32 v14, v10;
	_ =	sdelay $0x1  }
0xc1: {  	v14 =	vtrunc.f32 v14  }
0xc2: {  	v15 =	vcvt.f32.s32 v14  }
0xc3: {  	v14 =	vadd.f32 $5.000000000e-01, v14  }
0xc4: {  	v35 =	vadd.s32 $0xFFFFFFFD, v15  }
0xc5: {  	v37 =	vadd.s32 $0xFFFFFFFE, v15;
	v40 =	vadd.s32 $0xFFFFFFFF, v15;
	v14 =	vmul.f32 v14, v9  }
0xc6: {  	v44 =	vadd.s32 $0x1, v15;
	v46 =	vadd.s32 $0x2, v15;
	v48 =	vadd.s32 $0x3, v15  }
0xc7: {  	vm9 =	vgt.s32 v15, $0x0;
	v36 =	vcvt.s32.f32 v35;
	v38 =	vcvt.s32.f32 v37  }
0xc8: {  	vm10 =	vlt.u32 v15, $0x1F4;
	v41 =	vcvt.s32.f32 v40;
	v45 =	vcvt.s32.f32 v44  }
0xc9: {  	v47 =	vcvt.s32.f32 v46;
	v50 =	vcvt.s32.f32 v48;
	v17 =	vadd.f32 $5.000000000e-01, v36  }
0xca: {  	vm3 =	vgt.s32 v35, $0x0;
	vm2 =	vlt.u32 v35, $0x1F4;
	vm15 =	vgt.s32 v37, $0x0  }
0xcb: {  	v14 =	vadd.f32 v14, v7;
	v19 =	vadd.f32 $5.000000000e-01, v38;
	v17 =	vmul.f32 v17, v9  }
0xcc: {  	vm8 =	vgt.s32 v40, $0x0;
	v42 =	vadd.f32 $5.000000000e-01, v41;
	v23 =	vadd.f32 $5.000000000e-01, v45  }
0xcd: {  	vm4 =	vlt.u32 v40, $0x1F4;
	v25 =	vadd.f32 $5.000000000e-01, v47;
	v17 =	vadd.f32 v17, v7  }
0xce: {  	v14 =	vsub.f32 v13, v14;
	v19 =	vmul.f32 v19, v9;
	v20 =	vmul.f32 v42, v9  }
0xcf: {  	v23 =	vmul.f32 v23, v9;
	v25 =	vmul.f32 v25, v9;
	v17 =	vsub.f32 v13, v17  }
0xd0: {  	v14 =	vmul.f32 v14, v14;
	v19 =	vadd.f32 v19, v7;
	v20 =	vadd.f32 v20, v7  }
0xd1: {  	v23 =	vadd.f32 v23, v7;
	v25 =	vadd.f32 v25, v7;
	v17 =	vmul.f32 v17, v17  }
0xd2: {  	v28 =	vmul.f32 v14, v11;
	v19 =	vsub.f32 v13, v19;
	v20 =	vsub.f32 v13, v20  }
0xd3: {  	v23 =	vsub.f32 v13, v23;
	v39 =	vmul.f32 v17, v11;
	v17 =	vmul.f32 v17, v12  }
0xd4: {  	v19 =	vmul.f32 v19, v19;
	v49 =	vmul.f32 v20, v20;
	v20 =	vadd.f32 $5.000000000e-01, v50  }
0xd5: {  	v14 =	vmul.f32 v14, v12;
	v51 =	vmul.f32 v23, v23;
	v17 =	vadd.f32 v17, v39  }
0xd6: {  	v52 =	vsub.f32 v13, v25;
	v43 =	vmul.f32 v19, v11;
	v20 =	vmul.f32 v20, v9  }
0xd7: {  	v14 =	vadd.f32 v14, v28;
	v19 =	vmul.f32 v19, v12;
	v17 =	vmul.f32 $1.442695020e+00, v17  }
0xd8: {  	v54 =	vmul.f32 v52, v52;
	v27 =	vmul.f32 v49, v11;
	v20 =	vadd.f32 v20, v7  }
0xd9: {  	(erf) = vpow2.f32 v17;
	v17 =	vadd.f32 v19, v43;
	v19 =	vmul.f32 v49, v12  }
0xda: {  	vm11 =	vgt.s32 v44, $0x0;
	v14 =	vmul.f32 $1.442695020e+00, v14;
	v53 =	vmul.f32 v51, v11  }
0xdb: {  	v23 =	vmul.f32 v54, v11;
	v13 =	vsub.f32 v13, v20;
	v19 =	vadd.f32 v19, v27  }
0xdc: {  	vm12 =	vlt.u32 v44, $0x1F4;
	v20 =	vmul.f32 v54, v12;
	v17 =	vmul.f32 $1.442695020e+00, v17  }
0xdd: {  	vm13 =	vgt.s32 v46, $0x0;
	v13 =	vmul.f32 v13, v13;
	v19 =	vmul.f32 $1.442695020e+00, v19  }
0xde: {  	vm14 =	vgt.s32 v48, $0x0;
	(erf) = vpow2.f32 v17;
	v17 =	vmul.f32 v51, v12  }
0xdf: {  	v16 =	vnsel vm3, $0x0, v35;
	v55 =	vmul.f32 v13, v11;
	(erf) = vpow2.f32 v19  }
0xe0: {  	v13 =	vmul.f32 v13, v12;
	(erf) = vpow2.f32 v14;
	v14 =	vadd.f32 v17, v53  }
0xe1: {  	vm3 =	vlt.u32 v37, $0x1F4;
	v18 =	vnsel vm15, $0x0, v37;
	v56 =	vadd.f32 v20, v23  }
0xe2: {  	v57 =	vnsel vm8, $0x0, v40;
	v13 =	vadd.f32 v13, v55;
	v14 =	vmul.f32 $1.442695020e+00, v14  }
0xe3: {  	v59 =	vnsel vm14, $0x0, v48;
	v16 =	vmin.u32 v16, $0x1FF;
	v17 =	vmul.f32 $1.442695020e+00, v56  }
0xe4: {  	v18 =	vmin.u32 v18, $0x1FF;
	v13 =	vmul.f32 $1.442695020e+00, v13;
	(erf) = vpow2.f32 v14  }
0xe5: {  	v16 =	vor.u32 v6, v16;
	v18 =	vor.u32 v6, v18;
	(erf) = vpow2.f32 v17  }
0xe6: {  	v19 =	vmin.u32 v57, $0x1FF;
	v14 =	vnsel vm9, $0x0, v15;
	(erf) = vpow2.f32 v13  }
0xe7: {  	v19 =	vor.u32 v6, v19;
	v15 =	vnsel vm11, $0x0, v44;
	v14 =	vmin.u32 v14, $0x1FF  }
0xe8: {  	v14 =	vor.u32 v6, v14;
	v13 =	vmin.u32 v15, $0x1FF;
	v15 =	vnsel vm13, $0x0, v46  }
0xe9: {  	vm15 =	vlt.u32 v46, $0x1F4;
	v58 =	vpop (erf);
	v13 =	vor.u32 v6, v13;
	v15 =	vmin.u32 v15, $0x1FF  }
0xea: {  	v61 =	vmin.u32 v59, $0x1FF;
	[tilespmem:v16+s31+$0x0] =	vst.idx.add.f32.msk vm2, v58;
	vm2 =	vlt.u32 v48, $0x1F4;
	v60 =	vpop (erf);
	v15 =	vor.u32 v6, v15  }
0xeb: {  	p1 =	sne.s32 s30, $0x7F80;
	v16 =	vor.u32 v6, v61;
	[tilespmem:v18+s31+$0x0] =	vst.idx.add.f32.msk vm3, v60;
	v62 =	vpop (erf)  }
.Ltmp2:
0xec: {  	[tilespmem:v19+s31+$0x0] =	vst.idx.add.f32.msk vm4, v62;
	v63 =	vpop (erf);
	(pc) =	sbr.rel @p1 .LBB2_6-.Ltmp2, $4  }
0xed: {  	[tilespmem:v14+s31+$0x0] =	vst.idx.add.f32.msk vm10, v63;
	v14 =	vpop (erf)  }
0xee: {  	[tilespmem:v13+s31+$0x0] =	vst.idx.add.f32.msk vm12, v14;
	v13 =	vpop (erf)  }
0xef: {  	[tilespmem:v15+s31+$0x0] =	vst.idx.add.f32.msk vm15, v13;
	v13 =	vpop (erf)  }
0xf0: {  	s30 =	sadd.s32 $0x80, s30;
	[tilespmem:v16+s31+$0x0] =	vst.idx.add.f32.msk vm2, v13  }
0xf1: {  	s1 =	sand.u32 $0x1F0, s29;
	v10 =	vld [tilespmem:s31+$0x0]  }
0xf2: {  	v9 =	vld [tilespmem:s1+$0x2200];
	_ =	sdelay $0x1  }
0xf3: {  	v11 =	vld [tilespmem:s1+$0x2400];
	_ =	sdelay $0x1  }
0xf4: {  	v12 =	vld [tilespmem:s1+$0x2600]  }
0xf5: {  	v9 =	vadd.f32 v9, v10  }
0xf6: {  	v10 =	vld [tilespmem:s1+$0x2800]  }
0xf7: {  	v9 =	vadd.f32 v11, v9  }
0xf8: {  	v11 =	vld [tilespmem:s1+$0x2A00]  }
0xf9: {  	v9 =	vadd.f32 v12, v9  }
0xfa: {  	v60 =	vld [tilespmem:s1+$0x2C00]  }
0xfb: {  	v9 =	vadd.f32 v10, v9  }
0xfc: {  	v10 =	vld [tilespmem:s1+$0x2E00]  }
0xfd: {  	v9 =	vadd.f32 v11, v9  }
0xfe: {  	v11 =	vld [tilespmem:s1+$0x3000]  }
0xff: {  	v9 =	vadd.f32 v60, v9  }
0x100: {  	v61 =	vld [tilespmem:s1+$0x3200]  }
0x101: {  	v9 =	vadd.f32 v10, v9  }
0x102: {  	v10 =	vld [tilespmem:s1+$0x3400]  }
0x103: {  	v9 =	vadd.f32 v11, v9  }
0x104: {  	v11 =	vld [tilespmem:s1+$0x3600]  }
0x105: {  	v9 =	vadd.f32 v61, v9  }
0x106: {  	v62 =	vld [tilespmem:s1+$0x3800]  }
0x107: {  	v9 =	vadd.f32 v10, v9  }
0x108: {  	v10 =	vld [tilespmem:s1+$0x3A00]  }
0x109: {  	v9 =	vadd.f32 v11, v9  }
0x10a: {  	v11 =	vld [tilespmem:s1+$0x3C00]  }
0x10b: {  	v9 =	vadd.f32 v62, v9  }
0x10c: {  	v63 =	vld [tilespmem:s1+$0x3E00]  }
0x10d: {  	v9 =	vadd.f32 v10, v9;
	_ =	sdelay $0x1  }
0x10e: {  	v9 =	vadd.f32 v11, v9;
	_ =	sdelay $0x1  }
0x10f: {  	v9 =	vadd.f32 v63, v9  }
0x110: {  	s29 =	simm.s32 $0x10;
	s1 =	simm.s32 $0x4000  }
0x111: {  	s29 =	sand.u32 $0x1F0, s29;
	[tilespmem:s1+$0x0] =	vst v9  }
0x112: {  	s31 =	simm.s32 $0x20;
	s30 =	simm.s32 $0x2010;
	v9 =	vld [tilespmem:s29+$0x2200]  }
.LBB2_8:
0x113: {  	p1 =	sne.s32 s31, $0x1F0;
	v10 =	vld [tilespmem:s30+$0x0];
	_ =	sdelay $0x1  }
0x114: {  	v11 =	vld [tilespmem:s29+$0x2400];
	_ =	sdelay $0x1  }
0x115: {  	v12 =	vld [tilespmem:s29+$0x2600]  }
0x116: {  	v9 =	vadd.f32 v9, v10  }
0x117: {  	v10 =	vld [tilespmem:s29+$0x2800]  }
0x118: {  	v9 =	vadd.f32 v11, v9  }
0x119: {  	v11 =	vld [tilespmem:s29+$0x2A00]  }
0x11a: {  	v9 =	vadd.f32 v12, v9  }
0x11b: {  	v12 =	vld [tilespmem:s29+$0x2C00]  }
0x11c: {  	v9 =	vadd.f32 v10, v9  }
0x11d: {  	v10 =	vld [tilespmem:s29+$0x2E00]  }
0x11e: {  	v9 =	vadd.f32 v11, v9  }
0x11f: {  	v11 =	vld [tilespmem:s29+$0x3000]  }
0x120: {  	v9 =	vadd.f32 v12, v9  }
0x121: {  	v12 =	vld [tilespmem:s29+$0x3200]  }
0x122: {  	v9 =	vadd.f32 v10, v9  }
0x123: {  	v10 =	vld [tilespmem:s29+$0x3400]  }
0x124: {  	v9 =	vadd.f32 v11, v9  }
0x125: {  	v11 =	vld [tilespmem:s29+$0x3600]  }
0x126: {  	v9 =	vadd.f32 v12, v9  }
0x127: {  	v12 =	vld [tilespmem:s29+$0x3800]  }
0x128: {  	v9 =	vadd.f32 v10, v9  }
0x129: {  	v10 =	vld [tilespmem:s29+$0x3A00]  }
0x12a: {  	v9 =	vadd.f32 v11, v9  }
0x12b: {  	v11 =	vld [tilespmem:s29+$0x3C00]  }
0x12c: {  	v9 =	vadd.f32 v12, v9  }
0x12d: {  	v12 =	vld [tilespmem:s29+$0x3E00]  }
0x12e: {  	v9 =	vadd.f32 v10, v9;
	_ =	sdelay $0x1  }
0x12f: {  	v9 =	vadd.f32 v11, v9  }
.Ltmp3:
0x130: {  	(pc) =	sbr.rel @p1 .LBB2_8-.Ltmp3, $4  }
0x131: {  	v9 =	vadd.f32 v12, v9  }
0x132: {  	s1 =	sadd.s32 $0x10, s1  }
0x133: {  	s29 =	sand.u32 $0x1F0, s31;
	[tilespmem:s1+$0x0] =	vst v9  }
0x134: {  	s30 =	sadd.s32 $0x10, s30;
	s31 =	sadd.s32 $0x10, s31;
	v9 =	vld [tilespmem:s29+$0x2200]  }
0x135: {  	v10 =	vld [tilespmem:s30+$0x0];
	_ =	sdelay $0x1  }
0x136: {  	v11 =	vld [tilespmem:s29+$0x2400];
	_ =	sdelay $0x1  }
0x137: {  	v12 =	vld [tilespmem:s29+$0x2600]  }
0x138: {  	v9 =	vadd.f32 v9, v10  }
0x139: {  	v23 =	vld [tilespmem:s29+$0x2800]  }
0x13a: {  	v9 =	vadd.f32 v11, v9  }
0x13b: {  	v24 =	vld [tilespmem:s29+$0x2A00]  }
0x13c: {  	v9 =	vadd.f32 v12, v9  }
0x13d: {  	v25 =	vld [tilespmem:s29+$0x2C00]  }
0x13e: {  	v9 =	vadd.f32 v23, v9  }
0x13f: {  	v26 =	vld [tilespmem:s29+$0x2E00]  }
0x140: {  	v9 =	vadd.f32 v24, v9  }
0x141: {  	v27 =	vld [tilespmem:s29+$0x3000]  }
0x142: {  	v9 =	vadd.f32 v25, v9  }
0x143: {  	v28 =	vld [tilespmem:s29+$0x3200]  }
0x144: {  	v9 =	vadd.f32 v26, v9  }
0x145: {  	v29 =	vld [tilespmem:s29+$0x3400]  }
0x146: {  	v9 =	vadd.f32 v27, v9  }
0x147: {  	v30 =	vld [tilespmem:s29+$0x3600]  }
0x148: {  	v9 =	vadd.f32 v28, v9  }
0x149: {  	v31 =	vld [tilespmem:s29+$0x3800]  }
0x14a: {  	v9 =	vadd.f32 v29, v9  }
0x14b: {  	v32 =	vld [tilespmem:s29+$0x3A00]  }
0x14c: {  	v9 =	vadd.f32 v30, v9  }
0x14d: {  	v33 =	vld [tilespmem:s29+$0x3C00]  }
0x14e: {  	v9 =	vadd.f32 v31, v9  }
0x14f: {  	v34 =	vld [tilespmem:s29+$0x3E00]  }
0x150: {  	v9 =	vadd.f32 v32, v9;
	_ =	sdelay $0x1  }
0x151: {  	v9 =	vadd.f32 v33, v9;
	_ =	sdelay $0x1  }
0x152: {  	v9 =	vadd.f32 v34, v9  }
0x153: {  	s1 =	sadd.s32 $0x10, s1  }
0x154: {  	s29 =	simm.s32 $0x4000;
	[tilespmem:s1+$0x0] =	vst v9  }
0x155: {  	[spmem:s16] =	stream.linear.scatter [tilespmem:s29], [sflag:$0x1], $0x200, $0x38;
	[tilespmem:$0x4920] =	vst v63  }
0x156: {  	_ =	swait.ge [sflag:s26], $0x200  }
0x157: {  	[sflag:s26] =	ssyncset.done $0x0  }
0x158: {  	[sflag:s26] =	ssyncadd.s32 $0xFFFFFE00  }
0x159: {  	s30 =	simm.s32 $0x4480;
	[bflag:$0x0] =	sbarrier.arrive $0xFFFF  }
0x15a: {  	[tilespmem:s30], [sflag:$0x1] =	stream.linear.gather [spmem:s4], $0x20, $0x38;
	[tilespmem:$0x4920] =	vst v63  }
0x15b: {  	_ =	swait.ge [sflag:s26], $0x20  }
0x15c: {  	[sflag:s26] =	ssyncset.done $0x0  }
0x15d: {  	s31 =	simm.s32 $0x44A0;
	[sflag:s26] =	ssyncadd.s32 $0xFFFFFFE0  }
0x15e: {  	[tilespmem:s31], [sflag:$0x1] =	stream.linear.gather [spmem:s6], $0x20, $0x38;
	[tilespmem:$0x4920] =	vst v63  }
0x15f: {  	_ =	swait.ge [sflag:s26], $0x20  }
0x160: {  	[sflag:s26] =	ssyncset.done $0x0  }
0x161: {  	s29 =	simm.s32 $0x44C0;
	[sflag:s26] =	ssyncadd.s32 $0xFFFFFFE0  }
0x162: {  	[tilespmem:s29], [sflag:$0x1] =	stream.linear.gather [spmem:s7], $0x20, $0x38;
	[tilespmem:$0x4920] =	vst v63  }
0x163: {  	_ =	swait.ge [sflag:s26], $0x20  }
0x164: {  	[sflag:s26] =	ssyncset.done $0x0  }
0x165: {  	s30 =	simm.s32 $0x44E0;
	[sflag:s26] =	ssyncadd.s32 $0xFFFFFFE0  }
0x166: {  	[tilespmem:s30], [sflag:$0x1] =	stream.linear.gather [spmem:s8], $0x20, $0x38;
	[tilespmem:$0x4920] =	vst v63  }
0x167: {  	_ =	swait.ge [sflag:s26], $0x20  }
0x168: {  	[sflag:s26] =	ssyncset.done $0x0  }
0x169: {  	s31 =	simm.s32 $0x4500;
	[sflag:s26] =	ssyncadd.s32 $0xFFFFFFE0  }
0x16a: {  	[tilespmem:s31], [sflag:$0x1] =	stream.linear.gather [spmem:s9], $0x20, $0x38;
	[tilespmem:$0x4920] =	vst v63  }
0x16b: {  	_ =	swait.ge [sflag:s26], $0x20  }
0x16c: {  	[sflag:s26] =	ssyncset.done $0x0  }
0x16d: {  	s29 =	simm.s32 $0x4520;
	[sflag:s26] =	ssyncadd.s32 $0xFFFFFFE0  }
0x16e: {  	[tilespmem:s29], [sflag:$0x1] =	stream.linear.gather [spmem:s11], $0x20, $0x38;
	[tilespmem:$0x4920] =	vst v63  }
0x16f: {  	_ =	swait.ge [sflag:s26], $0x20  }
0x170: {  	[sflag:s26] =	ssyncset.done $0x0  }
0x171: {  	s30 =	simm.s32 $0x4540;
	[sflag:s26] =	ssyncadd.s32 $0xFFFFFFE0  }
0x172: {  	[tilespmem:s30], [sflag:$0x1] =	stream.linear.gather [spmem:s12], $0x20, $0x38;
	[tilespmem:$0x4920] =	vst v63  }
0x173: {  	_ =	swait.ge [sflag:s26], $0x20  }
0x174: {  	[sflag:s26] =	ssyncset.done $0x0  }
0x175: {  	s31 =	simm.s32 $0x4560;
	[sflag:s26] =	ssyncadd.s32 $0xFFFFFFE0  }
0x176: {  	[tilespmem:s31], [sflag:$0x1] =	stream.linear.gather [spmem:s13], $0x20, $0x38;
	[tilespmem:$0x4920] =	vst v63  }
0x177: {  	_ =	swait.ge [sflag:s26], $0x20  }
0x178: {  	[sflag:s26] =	ssyncset.done $0x0  }
0x179: {  	s29 =	simm.s32 $0x4580;
	[sflag:s26] =	ssyncadd.s32 $0xFFFFFFE0  }
0x17a: {  	[tilespmem:s29], [sflag:$0x1] =	stream.linear.gather [spmem:s14], $0x20, $0x38;
	[tilespmem:$0x4920] =	vst v63  }
0x17b: {  	_ =	swait.ge [sflag:s26], $0x20  }
0x17c: {  	[sflag:s26] =	ssyncset.done $0x0  }
0x17d: {  	s30 =	simm.s32 $0x45A0;
	[sflag:s26] =	ssyncadd.s32 $0xFFFFFFE0  }
0x17e: {  	[tilespmem:s30], [sflag:$0x1] =	stream.linear.gather [spmem:s15], $0x20, $0x38;
	[tilespmem:$0x4920] =	vst v63  }
0x17f: {  	_ =	swait.ge [sflag:s26], $0x20  }
0x180: {  	[sflag:s26] =	ssyncset.done $0x0  }
0x181: {  	s31 =	simm.s32 $0x45C0;
	[sflag:s26] =	ssyncadd.s32 $0xFFFFFFE0  }
0x182: {  	[tilespmem:s31], [sflag:$0x1] =	stream.linear.gather [spmem:s17], $0x20, $0x38;
	[tilespmem:$0x4920] =	vst v63  }
0x183: {  	_ =	swait.ge [sflag:s26], $0x20  }
0x184: {  	[sflag:s26] =	ssyncset.done $0x0  }
0x185: {  	s29 =	simm.s32 $0x45E0;
	[sflag:s26] =	ssyncadd.s32 $0xFFFFFFE0  }
0x186: {  	[tilespmem:s29], [sflag:$0x1] =	stream.linear.gather [spmem:s18], $0x20, $0x38;
	[tilespmem:$0x4920] =	vst v63  }
0x187: {  	_ =	swait.ge [sflag:s26], $0x20  }
0x188: {  	[sflag:s26] =	ssyncset.done $0x0  }
0x189: {  	s30 =	simm.s32 $0x4600;
	[sflag:s26] =	ssyncadd.s32 $0xFFFFFFE0  }
0x18a: {  	[tilespmem:s30], [sflag:$0x1] =	stream.linear.gather [spmem:s19], $0x20, $0x38;
	[tilespmem:$0x4920] =	vst v63  }
0x18b: {  	_ =	swait.ge [sflag:s26], $0x20  }
0x18c: {  	[sflag:s26] =	ssyncset.done $0x0  }
0x18d: {  	s31 =	simm.s32 $0x4620;
	[sflag:s26] =	ssyncadd.s32 $0xFFFFFFE0  }
0x18e: {  	[tilespmem:s31], [sflag:$0x1] =	stream.linear.gather [spmem:s20], $0x20, $0x38;
	[tilespmem:$0x4920] =	vst v63  }
0x18f: {  	_ =	swait.ge [sflag:s26], $0x20  }
0x190: {  	[sflag:s26] =	ssyncset.done $0x0  }
0x191: {  	s29 =	simm.s32 $0x4640;
	[sflag:s26] =	ssyncadd.s32 $0xFFFFFFE0  }
0x192: {  	[tilespmem:s29], [sflag:$0x1] =	stream.linear.gather [spmem:s21], $0x20, $0x38;
	[tilespmem:$0x4920] =	vst v63  }
0x193: {  	_ =	swait.ge [sflag:s26], $0x20  }
0x194: {  	[sflag:s26] =	ssyncset.done $0x0  }
0x195: {  	s30 =	simm.s32 $0x4660;
	[sflag:s26] =	ssyncadd.s32 $0xFFFFFFE0  }
0x196: {  	[tilespmem:s30], [sflag:$0x1] =	stream.linear.gather [spmem:s22], $0x20, $0x38;
	[tilespmem:$0x4920] =	vst v63  }
0x197: {  	_ =	swait.ge [sflag:s26], $0x20  }
0x198: {  	[sflag:s26] =	ssyncset.done $0x0  }
0x199: {  	[sflag:s26] =	ssyncadd.s32 $0xFFFFFFE0  }
0x19a: {  	v35 =	vld [tilespmem:$0x4480]  }
0x19b: {  	v36 =	vld [tilespmem:$0x44A0]  }
0x19c: {  	v37 =	vld [tilespmem:$0x4490]  }
0x19d: {  	v38 =	vld [tilespmem:$0x44B0]  }
0x19e: {  	v13 =	vld [tilespmem:$0x44C0]  }
0x19f: {  	v14 =	vld [tilespmem:$0x44D0]  }
0x1a0: {  	v15 =	vld [tilespmem:$0x44E0]  }
0x1a1: {  	v39 =	vld [tilespmem:$0x44F0];
	v9 =	vadd.f32 v36, v35  }
0x1a2: {  	v40 =	vld [tilespmem:$0x4500];
	v11 =	vadd.f32 v38, v37  }
0x1a3: {  	v41 =	vld [tilespmem:$0x4510];
	v9 =	vadd.f32 v13, v9  }
0x1a4: {  	v42 =	vld [tilespmem:$0x4520];
	v11 =	vadd.f32 v14, v11  }
0x1a5: {  	v43 =	vld [tilespmem:$0x4530];
	v9 =	vadd.f32 v15, v9  }
0x1a6: {  	v44 =	vld [tilespmem:$0x4540];
	v10 =	vadd.f32 v39, v11  }
0x1a7: {  	v45 =	vld [tilespmem:$0x4550];
	v9 =	vadd.f32 v40, v9  }
0x1a8: {  	v46 =	vld [tilespmem:$0x4560];
	v10 =	vadd.f32 v41, v10  }
0x1a9: {  	v47 =	vld [tilespmem:$0x4570];
	v9 =	vadd.f32 v42, v9  }
0x1aa: {  	v48 =	vld [tilespmem:$0x4580];
	v10 =	vadd.f32 v43, v10  }
0x1ab: {  	v49 =	vld [tilespmem:$0x4590];
	v9 =	vadd.f32 v44, v9  }
0x1ac: {  	v50 =	vld [tilespmem:$0x45A0];
	v10 =	vadd.f32 v45, v10  }
0x1ad: {  	v51 =	vld [tilespmem:$0x45B0];
	v9 =	vadd.f32 v46, v9  }
0x1ae: {  	v52 =	vld [tilespmem:$0x45C0];
	v10 =	vadd.f32 v47, v10  }
0x1af: {  	v53 =	vld [tilespmem:$0x45D0];
	v9 =	vadd.f32 v48, v9  }
0x1b0: {  	v54 =	vld [tilespmem:$0x45E0];
	v10 =	vadd.f32 v49, v10  }
0x1b1: {  	v55 =	vld [tilespmem:$0x45F0];
	v9 =	vadd.f32 v50, v9  }
0x1b2: {  	v56 =	vld [tilespmem:$0x4600];
	v10 =	vadd.f32 v51, v10  }
0x1b3: {  	v57 =	vld [tilespmem:$0x4610];
	v9 =	vadd.f32 v52, v9  }
0x1b4: {  	v58 =	vld [tilespmem:$0x4620];
	v10 =	vadd.f32 v53, v10  }
0x1b5: {  	v59 =	vld [tilespmem:$0x4630];
	v9 =	vadd.f32 v54, v9  }
0x1b6: {  	v60 =	vld [tilespmem:$0x4640];
	v10 =	vadd.f32 v55, v10  }
0x1b7: {  	v61 =	vld [tilespmem:$0x4650];
	v9 =	vadd.f32 v56, v9  }
0x1b8: {  	v62 =	vld [tilespmem:$0x4660];
	v10 =	vadd.f32 v57, v10  }
0x1b9: {  	v63 =	vld [tilespmem:$0x4670];
	v9 =	vadd.f32 v58, v9  }
0x1ba: {  	v10 =	vadd.f32 v59, v10  }
0x1bb: {  	v9 =	vadd.f32 v60, v9  }
0x1bc: {  	v10 =	vadd.f32 v61, v10  }
0x1bd: {  	v9 =	vadd.f32 v62, v9  }
0x1be: {  	v10 =	vadd.f32 v63, v10  }
0x1bf: {  	[tilespmem:$0x4680] =	vst v9  }
0x1c0: {  	s31 =	simm.s32 $0x4680;
	[tilespmem:$0x4690] =	vst v10  }
0x1c1: {  	[hbm4b:s23+s2] =	stream.linear.scatter [tilespmem:s31], [sflag:$0x1], $0x20, $0x38;
	[tilespmem:$0x4920] =	vst v63  }
0x1c2: {  	_ =	swait.ge [sflag:s26], $0x20  }
0x1c3: {  	v8 =	vsel @!p0 vm0, $0x0, v8;
	[sflag:s26] =	ssyncset.done $0x0  }
0x1c4: {  	s0 =	sadd.s32 $0x1, s0;
	v7 =	vsel @!p0 vm1, v7, v8;
	[sflag:s26] =	ssyncadd.s32 $0xFFFFFFE0  }
0x1c5: {  	p1 =	sne.s32 s0, s25;
	s1 =	simm.s32 @!p0 $0x0;
	s29 =	simm.s32 @!p0 $0x4200;
	[tilespmem:$0x4200] =	vst @!p0 v7  }
0x1c6: {  	[hbm4b:s24+s1] =	stream.linear.scatter @!p0 [tilespmem:s29], [sflag:$0x1], $0x10, $0x38;
	[tilespmem:$0x4920] =	vst v63  }
.Ltmp4:
0x1c7: {  	_ = 	snop;
	(pc) =	sbr.rel @p1 .LBB2_1-.Ltmp4, $4  }
0x1c8: {  	s1 =	simm.s32 @!p0 $0x1  }
0x1c9: {  	_ =	swait.ge @!p0 [sflag:s1], $0x10  }
0x1ca: {  	[sflag:s1] =	ssyncset.done @!p0 $0x0  }
0x1cb: {  	[sflag:s1] =	ssyncadd.s32 @!p0 $0xFFFFFFF0  }
0x1cc: {  	_ =	sfence.sel $0x180000  }
0x1cd: {  	[bflag:$0x0] =	sbarrier.arrive $0xFFFF  }
0x1ce: {  	_ =	strace $0x90000047  }
0x1cf: {  	[bflag:$0x2] =	sbarrier.arrive $0xFFFF  }
0x1d0: {  	s0 =	rddreg [dreg:$0x3]  }
0x1d1: {  	s0 =	sadd.s32 @!p0 $0x100000, s0  }
0x1d2: {  	[sflag:s0] =	ssyncadd.tile.s32 @!p0 $0x1;
	_ =	shalt  }
.Lfunc_end2:
_tile_overlayer_lowered:
.L_overlay_start_2:
0x1d3: {  	(tag) =	ssettag $0x2  }
0x1d4: {  	s0 =	rddreg [dreg:$0x0];
	s2 =	stileid.u32  }
0x1d5: {  	s1 =	rddreg [dreg:$0x1];
	p0 =	sne.s32 s2, $0x0  }
0x1d6: {  	s3 =	rddreg [dreg:$0x2];
	[bflag:$0x3] =	sbarrier.arrive $0xFFFF;
	s2 =	simm.s32 @!p0 $0x1C01  }
0x1d7: {  	[timem:s3], [sflag:s2] =	dma.local @!p0 [hbm:s0], s1  }
0x1d8: {  	s0 =	simm.s32 @!p0 $0x1  }
0x1d9: {  	_ =	swait.ge @!p0 [sflag:s0], s1  }
0x1da: {  	s1 =	ssub.s32 @!p0 $0x0, s1;
	[sflag:s0] =	ssyncset.done @!p0 $0x0  }
0x1db: {  	[sflag:s0] =	ssyncadd.s32 @!p0 s1  }
0x1dc: {  	[bflag:$0x3] =	sbarrier.arrive $0xFFFF  }
0x1dd: {  	_ =	shalt  }

</sc_bundles>
